<compile_context>
chip_gen: v7x
topology: tpu7x:2x2x1
jax: 0.10.2.dev20260603
libtpu: 0.0.44.dev20260713+nightly
codegen_flags: <defaults>
</compile_context>

<pallas_src>
import functools

import jax
import jax.numpy as jnp
from jax import lax
from jax.experimental import pallas as pl
from jax.experimental.pallas import tpu as pltpu
from jax.experimental.pallas import tpu_sc as plsc

N = 10000
E = 320000
D = 128
NUM_D = 8

_INFO = plsc.get_sparse_core_info()
NC = _INFO.num_cores
NS = _INFO.num_subcores
NW = NC * NS
EPT = E // NW
BATCH = 80
NB = EPT // BATCH
CHUNK = 25


def _fill_f32(ref, n, val):
    def body(i, _):
        ref[pl.ds(i * 16, 16)] = jnp.full((16,), val, jnp.float32)
        return 0
    lax.fori_loop(0, n // 16, body, 0)


def _sc_out_deg(src3):
    mesh = plsc.VectorSubcoreMesh(core_axis_name="c", subcore_axis_name="s")

    @functools.partial(
        pl.kernel, mesh=mesh,
        out_type=jax.ShapeDtypeStruct((NC, N), jnp.float32),
        scratch_types=[
            pltpu.VMEM((NB, BATCH), jnp.int32),
            pltpu.VMEM((BATCH,), jnp.float32),
            pltpu.VMEM((2000,), jnp.float32),
            pltpu.VMEM_SHARED((N,), jnp.float32),
        ],
    )
    def k(src_hbm, out_hbm, idx_v, ones_v, zeros_v, acc):
        c = lax.axis_index("c")
        s = lax.axis_index("s")
        wid = c * NS + s
        _fill_f32(ones_v, BATCH, 1.0)
        _fill_f32(zeros_v, 2000, 0.0)
        pltpu.sync_copy(src_hbm.at[wid], idx_v)

        @pl.when(s < 5)
        def _():
            pltpu.sync_copy(zeros_v, acc.at[pl.ds(s * 2000, 2000)])

        plsc.subcore_barrier()

        def body(b, _):
            pltpu.sync_copy(ones_v, acc.at[idx_v.at[b]], add=True)
            return 0
        lax.fori_loop(0, NB, body, 0)

        plsc.subcore_barrier()

        @pl.when(s == 0)
        def _():
            pltpu.sync_copy(acc, out_hbm.at[c])

    return k(src3)


def _tc_table(h, deg0, deg1):
    R = 1000

    def body(h_ref, d0_ref, d1_ref, out_ref):
        deg = d0_ref[...] + d1_ref[...]
        norm = jnp.where(deg > 0, lax.rsqrt(deg), 0.0)
        feat = h_ref[...] * norm
        for d in range(NUM_D):
            out_ref[d] = feat * (0.5 ** d)

    return pl.pallas_call(
        body,
        grid=(N // R,),
        in_specs=[pl.BlockSpec((R, D), lambda i: (i, 0)),
                  pl.BlockSpec((R, 1), lambda i: (i, 0)),
                  pl.BlockSpec((R, 1), lambda i: (i, 0))],
        out_specs=pl.BlockSpec((NUM_D, R, D), lambda i: (0, i, 0)),
        out_shape=jax.ShapeDtypeStruct((NUM_D, N, D), jnp.float32),
    )(h, deg0, deg1)


def _sc_edge_agg(table_flat, gid3, dst3):
    mesh = plsc.VectorSubcoreMesh(core_axis_name="c", subcore_axis_name="s")

    @functools.partial(
        pl.kernel, mesh=mesh,
        out_type=(jax.ShapeDtypeStruct((NC, N, D), jnp.float32),
                  jax.ShapeDtypeStruct((NC, N), jnp.float32)),
        scratch_types=[
            pltpu.VMEM((CHUNK, BATCH), jnp.int32),
            pltpu.VMEM((CHUNK, BATCH), jnp.int32),
            pltpu.VMEM((BATCH, D), jnp.float32),
            pltpu.VMEM((BATCH,), jnp.float32),
            pltpu.VMEM((2000,), jnp.float32),
            pltpu.VMEM_SHARED((N, D), jnp.float32),
            pltpu.VMEM_SHARED((N,), jnp.float32),
            pltpu.SemaphoreType.DMA,
        ],
    )
    def k(table_hbm, gid_hbm, dst_hbm, agg_hbm, indeg_hbm,
          gid_v, dst_v, rows_v, ones_v, zeros1, acc, acc1, sem):
        c = lax.axis_index("c")
        s = lax.axis_index("s")
        wid = c * NS + s
        _fill_f32(ones_v, BATCH, 1.0)
        _fill_f32(zeros1, 2000, 0.0)

        def zfill(i, _):
            rows_v[i // 8, pl.ds((i % 8) * 16, 16)] = jnp.zeros((16,), jnp.float32)
            return 0
        lax.fori_loop(0, BATCH * 8, zfill, 0)

        @pl.when(s < 10)
        def _():
            for j in range(12):
                pltpu.sync_copy(rows_v, acc.at[pl.ds(s * 1000 + j * 80, 80)])
            pltpu.sync_copy(rows_v.at[pl.ds(0, 40)],
                            acc.at[pl.ds(s * 1000 + 960, 40)])

        @pl.when(s < 5)
        def _():
            pltpu.sync_copy(zeros1, acc1.at[pl.ds(s * 2000, 2000)])

        plsc.subcore_barrier()

        def chunk_body(g, _):
            pltpu.sync_copy(gid_hbm.at[wid, g], gid_v)
            pltpu.sync_copy(dst_hbm.at[wid, g], dst_v)

            def body(b, _):
                pltpu.async_copy(table_hbm.at[gid_v.at[b]], rows_v, sem).wait()
                pltpu.sync_copy(rows_v, acc.at[dst_v.at[b]], add=True)
                pltpu.sync_copy(ones_v, acc1.at[dst_v.at[b]], add=True)
                return 0
            lax.fori_loop(0, CHUNK, body, 0)
            return 0
        lax.fori_loop(0, NB // CHUNK, chunk_body, 0)

        plsc.subcore_barrier()

        @pl.when(s < 10)
        def _():
            pltpu.sync_copy(acc.at[pl.ds(s * 1000, 1000)],
                            agg_hbm.at[c, pl.ds(s * 1000, 1000)])

        @pl.when(s == 10)
        def _():
            pltpu.sync_copy(acc1, indeg_hbm.at[c])

    return k(table_flat, gid3, dst3)


def _tc_final(agg_parts, ind0, ind1, table, weight, bias2):
    R = 1000

    def body(agg_ref, i0_ref, i1_ref, feat_ref, w_ref, b_ref, out_ref):
        aggp = agg_ref[...]
        a = aggp[0] + aggp[1]
        ind = i0_ref[...] + i1_ref[...]
        mean = a / jnp.maximum(ind, 1.0)
        agg = jnp.where(ind > 0, mean, feat_ref[0])
        rst = jnp.dot(agg, w_ref[...], preferred_element_type=jnp.float32)
        norm_in = jnp.where(ind > 0, lax.rsqrt(ind), 0.0)
        out_ref[...] = rst * norm_in + b_ref[...]

    return pl.pallas_call(
        body,
        grid=(N // R,),
        in_specs=[pl.BlockSpec((NC, R, D), lambda i: (0, i, 0)),
                  pl.BlockSpec((R, 1), lambda i: (i, 0)),
                  pl.BlockSpec((R, 1), lambda i: (i, 0)),
                  pl.BlockSpec((1, R, D), lambda i: (0, i, 0)),
                  pl.BlockSpec((D, D), lambda i: (0, 0)),
                  pl.BlockSpec((1, D), lambda i: (0, 0))],
        out_specs=pl.BlockSpec((R, D), lambda i: (i, 0)),
        out_shape=jax.ShapeDtypeStruct((N, D), jnp.float32),
    )(agg_parts, ind0, ind1, table, weight, bias2)


def kernel(h, edge_index, edge_distance, weight, bias):
    src = edge_index[0]
    dst = edge_index[1]
    gid = edge_distance * N + src
    src3 = src.reshape(NW, NB, BATCH)
    gid3 = gid.reshape(NW, NB // CHUNK, CHUNK, BATCH)
    dst3 = dst.reshape(NW, NB // CHUNK, CHUNK, BATCH)

    outdeg_parts = _sc_out_deg(src3)
    table = _tc_table(h, outdeg_parts[0].reshape(N, 1),
                      outdeg_parts[1].reshape(N, 1))
    table_flat = table.reshape(NUM_D * N, D)
    agg_parts, indeg_parts = _sc_edge_agg(table_flat, gid3, dst3)
    return _tc_final(agg_parts, indeg_parts[0].reshape(N, 1),
                     indeg_parts[1].reshape(N, 1), table,
                     weight, bias.reshape(1, D))

# --- scband reference (transcript-rebuilt; emitter-appended) ---
"""Pipeline reference for scband-dgcnlayer-2345052144351 (READ-ONLY COPY).

The authoritative reference and input builder live on the scoring server;
editing this copy changes nothing except your own understanding.
"""

import jax, jax.numpy as jnp
import numpy as np

N = 10000
E = 320000
D_IN = 128
D_OUT = 128
ALPHA = 0.5


def setup_inputs(seed: int = 0) -> dict:
    key = jax.random.key(seed)
    k1, k2, k3, k4 = jax.random.split(key, 4)
    h = jax.random.normal(k1, (N, D_IN), dtype=jnp.float32)
    edge_index = jax.random.randint(k2, (2, E), 0, N, dtype=jnp.int32)
    edge_distance = jax.random.randint(k3, (E,), 0, 8, dtype=jnp.int32)
    # xavier_uniform init for weight, zeros for bias (per module __init__)
    a = float(np.sqrt(6.0 / (D_IN + D_OUT)))
    weight = jax.random.uniform(k4, (D_IN, D_OUT), dtype=jnp.float32, minval=-a, maxval=a)
    bias = jnp.zeros((D_OUT,), dtype=jnp.float32)
    return {"h": h, "edge_index": edge_index, "edge_distance": edge_distance,
            "weight": weight, "bias": bias}


def reference(h, edge_index, edge_distance, weight, bias):
    alpha = jnp.float32(ALPHA)
    src = edge_index[0]
    dst = edge_index[1]
    n = h.shape[0]
    # out-degree normalization of source features: h * out_deg^{-1/2}
    out_deg = jnp.zeros((n,), dtype=jnp.float32).at[src].add(1.0)
    norm_out = jnp.where(out_deg > 0, jnp.power(out_deg, -0.5), 0.0)
    feat_src = h * norm_out[:, None]
    # message: m_e = feat_src[src_e] * alpha^{distance_e}
    w = jnp.power(alpha, edge_distance.astype(jnp.float32))
    msgs = feat_src[src] * w[:, None]
    # reduce: mean over mailbox per destination node
    agg_sum = jnp.zeros_like(h).at[dst].add(msgs)
    in_deg = jnp.zeros((n,), dtype=jnp.float32).at[dst].add(1.0)
    # DGL semantics: nodes with no incoming messages keep their ndata ('h' = feat_src)
    mean_agg = agg_sum / jnp.maximum(in_deg, 1.0)[:, None]
    agg = jnp.where((in_deg > 0)[:, None], mean_agg, feat_src)
    # linear transform + in-degree normalization + bias
    rst = agg @ weight
    norm_in = jnp.where(in_deg > 0, jnp.power(in_deg, -0.5), 0.0)
    rst = rst * norm_in[:, None]
    rst = rst + bias
    return rst

if __name__ == "__main__":
    import jax
    _d = setup_inputs()
    print(jax.jit(kernel)(*tuple(_d.values())))

</pallas_src>

<mosaic_0001>
#map = affine_map<(d0, d1) -> (0, 0)>
#map1 = affine_map<(d0, d1) -> (0, 0, 0, 0)>
#map2 = affine_map<(d0, d1) -> (0, 0, 0)>
module attributes {stable_mosaic.version = 14 : i64} {
  func.func @k(%arg0: i32, %arg1: i32, %arg2: memref<80000x128xf32, #tpu.memory_space<hbm>>, %arg3: memref<32x5x25x80xi32, #tpu.memory_space<hbm>>, %arg4: memref<32x5x25x80xi32, #tpu.memory_space<hbm>>, %arg5: memref<2x10000x128xf32, #tpu.memory_space<hbm>>, %arg6: memref<2x10000xf32, #tpu.memory_space<hbm>>, %arg7: memref<25x80xi32, #tpu.memory_space<vmem>>, %arg8: memref<25x80xi32, #tpu.memory_space<vmem>>, %arg9: memref<80x128xf32, #tpu.memory_space<vmem>>, %arg10: memref<80xf32, #tpu.memory_space<vmem>>, %arg11: memref<2000xf32, #tpu.memory_space<vmem>>, %arg12: memref<10000x128xf32, #tpu.memory_space<vmem_shared>>, %arg13: memref<10000xf32, #tpu.memory_space<vmem_shared>>, %arg14: memref<!tpu.dma_semaphore, #tpu.memory_space<semaphore_mem>>) attributes {dimension_semantics = [#tpu.dimension_semantics<core_parallel>, #tpu.dimension_semantics<subcore_parallel>], iteration_bounds = array<i64: 2, 16>, scalar_prefetch = 0 : i64, scratch_operands = 8 : i64, tpu.core_type = #tpu.core_type<sc_vector_subcore>, window_params = [{transform_indices = #map}, {transform_indices = #map1}, {transform_indices = #map1}, {transform_indices = #map2}, {transform_indices = #map}]} {
    %mul3A = arith.constant 16 : i32
    %mul3A_0 = arith.muli %arg0, %mul3A : i32
    %add3A = arith.addi %mul3A_0, %arg1 : i32
    %scan3A = arith.constant 0 : i32
    %scan3A_1 = arith.constant 0 : i32
    %scan3A_2 = arith.constant 5 : i32
    %scan3A_3 = arith.addi %scan3A_1, %scan3A_2 : i32
    %scan3A_4 = arith.constant 1 : i32
    %scan3A_5 = scf.for %scan3A_45 = %scan3A_1 to %scan3A_3 step %scan3A_4 iter_args(%scan3A_46 = %scan3A) -> (i32)  : i32 {
      %broadcast_in_dim3A = arith.constant 1.000000e+00 : f32
      %broadcast_in_dim3A_47 = vector.broadcast %broadcast_in_dim3A : f32 to vector<16xf32>
      %mul3A_48 = arith.constant 16 : i32
      %mul3A_49 = arith.muli %scan3A_45, %mul3A_48 : i32
      %swap3A = arith.index_cast %mul3A_49 : i32 to index
      %swap3A_50 = tpu.vector_load %arg10[%swap3A] {strides = array<i32>} : memref<80xf32, #tpu.memory_space<vmem>>, vector<16xf32>,
      %swap3A_51 = vector.shape_cast %swap3A_50 : vector<16xf32> to vector<16xf32>
      %swap3A_52 = vector.shape_cast %broadcast_in_dim3A_47 : vector<16xf32> to vector<16xf32>
      tpu.vector_store %arg10[%swap3A], %swap3A_52 {strides = array<i32>} : memref<80xf32, #tpu.memory_space<vmem>>, vector<16xf32>,
      %scan3A_53 = arith.constant 0 : i32
      scf.yield %scan3A_53 : i32
    }
    %scan3A_6 = arith.constant 5 : i32
    %scan3A_7 = arith.constant 0 : i32
    %scan3A_8 = arith.constant 0 : i32
    %scan3A_9 = arith.constant 125 : i32
    %scan3A_10 = arith.addi %scan3A_8, %scan3A_9 : i32
    %scan3A_11 = arith.constant 1 : i32
    %scan3A_12 = scf.for %scan3A_45 = %scan3A_8 to %scan3A_10 step %scan3A_11 iter_args(%scan3A_46 = %scan3A_7) -> (i32)  : i32 {
      %broadcast_in_dim3A = arith.constant 0.000000e+00 : f32
      %broadcast_in_dim3A_47 = vector.broadcast %broadcast_in_dim3A : f32 to vector<16xf32>
      %mul3A_48 = arith.constant 16 : i32
      %mul3A_49 = arith.muli %scan3A_45, %mul3A_48 : i32
      %swap3A = arith.index_cast %mul3A_49 : i32 to index
      %swap3A_50 = tpu.vector_load %arg11[%swap3A] {strides = array<i32>} : memref<2000xf32, #tpu.memory_space<vmem>>, vector<16xf32>,
      %swap3A_51 = vector.shape_cast %swap3A_50 : vector<16xf32> to vector<16xf32>
      %swap3A_52 = vector.shape_cast %broadcast_in_dim3A_47 : vector<16xf32> to vector<16xf32>
      tpu.vector_store %arg11[%swap3A], %swap3A_52 {strides = array<i32>} : memref<2000xf32, #tpu.memory_space<vmem>>, vector<16xf32>,
      %scan3A_53 = arith.constant 0 : i32
      scf.yield %scan3A_53 : i32
    }
    %scan3A_13 = arith.constant 125 : i32
    %scan3A_14 = arith.constant 0 : i32
    %scan3A_15 = arith.constant 0 : i32
    %scan3A_16 = arith.constant 640 : i32
    %scan3A_17 = arith.addi %scan3A_15, %scan3A_16 : i32
    %scan3A_18 = arith.constant 1 : i32
    %scan3A_19 = scf.for %scan3A_45 = %scan3A_15 to %scan3A_17 step %scan3A_18 iter_args(%scan3A_46 = %scan3A_14) -> (i32)  : i32 {
      %broadcast_in_dim3A = arith.constant 0.000000e+00 : f32
      %broadcast_in_dim3A_47 = vector.broadcast %broadcast_in_dim3A : f32 to vector<16xf32>
      %jit3A = arith.constant 8 : i32
      %div3A = arith.divsi %scan3A_45, %jit3A : i32
      %sign3A = arith.constant 0 : i32
      %sign3A_48 = arith.cmpi sgt, %scan3A_45, %sign3A : i32
      %sign3A_49 = arith.extui %sign3A_48 : i1 to i32
      %sign3A_50 = arith.constant 0 : i32
      %sign3A_51 = arith.cmpi slt, %scan3A_45, %sign3A_50 : i32
      %sign3A_52 = arith.extui %sign3A_51 : i1 to i32
      %sign3A_53 = arith.subi %sign3A_49, %sign3A_52 : i32
      %sign3A_54 = arith.constant 0 : i32
      %sign3A_55 = arith.cmpi sgt, %jit3A, %sign3A_54 : i32
      %sign3A_56 = arith.extui %sign3A_55 : i1 to i32
      %sign3A_57 = arith.constant 0 : i32
      %sign3A_58 = arith.cmpi slt, %jit3A, %sign3A_57 : i32
      %sign3A_59 = arith.extui %sign3A_58 : i1 to i32
      %sign3A_60 = arith.subi %sign3A_56, %sign3A_59 : i32
      %ne3A = arith.cmpi ne, %sign3A_53, %sign3A_60 : i32
      %rem3A = arith.remsi %scan3A_45, %jit3A : i32
      %ne3A_61 = arith.constant 0 : i32
      %ne3A_62 = arith.cmpi ne, %rem3A, %ne3A_61 : i32
      %and3A = arith.andi %ne3A, %ne3A_62 : i1
      %sub3A = arith.constant 1 : i32
      %sub3A_63 = arith.subi %div3A, %sub3A : i32
      %select_n3A = arith.select %and3A, %sub3A_63, %div3A : i32
      %jit3A_64 = arith.constant 8 : i32
      %eq3A_65 = arith.constant 0 : i32
      %eq3A_66 = arith.cmpi eq, %jit3A_64, %eq3A_65 : i32
      %jit3A_67 = arith.constant 1 : i32
      %select_n3A_68 = arith.select %eq3A_66, %jit3A_67, %jit3A_64 : i32
      %rem3A_69 = arith.remsi %scan3A_45, %select_n3A_68 : i32
      %ne3A_70 = arith.constant 0 : i32
      %ne3A_71 = arith.cmpi ne, %rem3A_69, %ne3A_70 : i32
      %lt3A_72 = arith.constant 0 : i32
      %lt3A_73 = arith.cmpi slt, %rem3A_69, %lt3A_72 : i32
      %lt3A_74 = arith.constant 0 : i32
      %lt3A_75 = arith.cmpi slt, %select_n3A_68, %lt3A_74 : i32
      %ne3A_76 = arith.xori %lt3A_73, %lt3A_75 : i1
      %and3A_77 = arith.andi %ne3A_76, %ne3A_71 : i1
      %add3A_78 = arith.addi %rem3A_69, %select_n3A_68 : i32
      %select_n3A_79 = arith.select %and3A_77, %add3A_78, %rem3A_69 : i32
      %mul3A_80 = arith.constant 16 : i32
      %mul3A_81 = arith.muli %select_n3A_79, %mul3A_80 : i32
      %swap3A = arith.index_cast %select_n3A : i32 to index
      %swap3A_82 = arith.index_cast %mul3A_81 : i32 to index
      %swap3A_83 = tpu.vector_load %arg9[%swap3A, %swap3A_82] {strides = array<i32>} : memref<80x128xf32, #tpu.memory_space<vmem>>, vector<1x16xf32>,
      %swap3A_84 = vector.shape_cast %swap3A_83 : vector<1x16xf32> to vector<16xf32>
      %swap3A_85 = vector.shape_cast %broadcast_in_dim3A_47 : vector<16xf32> to vector<1x16xf32>
      tpu.vector_store %arg9[%swap3A, %swap3A_82], %swap3A_85 {strides = array<i32>} : memref<80x128xf32, #tpu.memory_space<vmem>>, vector<1x16xf32>,
      %scan3A_86 = arith.constant 0 : i32
      scf.yield %scan3A_86 : i32
    }
    %scan3A_20 = arith.constant 640 : i32
    %lt3A = arith.constant 10 : i32
    %lt3A_21 = arith.cmpi slt, %arg1, %lt3A : i32
    %convert_element_type3A = arith.extui %lt3A_21 : i1 to i32
    %cond3A = arith.constant 0 : i32
    %cond3A_22 = arith.cmpi ne, %convert_element_type3A, %cond3A : i32
    scf.if %cond3A_22 {
      %mul3A_45 = arith.constant 1000 : i32
      %mul3A_46 = arith.muli %arg1, %mul3A_45 : i32
      %add3A_47 = arith.constant 0 : i32
      %add3A_48 = arith.addi %mul3A_46, %add3A_47 : i32
      "tpu.region"() ({
        %run_scoped3A = tpu.sem_alloc : memref<!tpu.dma_semaphore, #tpu.memory_space<semaphore_mem>>
        %dma_start3A = arith.constant 0 : i32
        %dma_start3A_97 = tpu.memref_slice %arg12[%add3A_48, %dma_start3A] : memref<10000x128xf32, #tpu.memory_space<vmem_shared>> -> memref<80x128xf32, #tpu.memory_space<vmem_shared>>
        %dma_start3A_98 = arith.constant 0 : i32
        %dma_start3A_99 = tpu.memref_slice %arg12[%add3A_48, %dma_start3A_98] : memref<10000x128xf32, #tpu.memory_space<vmem_shared>> -> memref<80x128xf32, #tpu.memory_space<vmem_shared>>
        tpu.enqueue_dma source(%arg9 : memref<80x128xf32, #tpu.memory_space<vmem>>) target(%dma_start3A_99 : memref<80x128xf32, #tpu.memory_space<vmem_shared>>) target_semaphore(%run_scoped3A : memref<!tpu.dma_semaphore, #tpu.memory_space<semaphore_mem>>)
        %dma_wait3A = arith.constant 0 : i32
        %dma_wait3A_100 = tpu.memref_slice %arg12[%add3A_48, %dma_wait3A] : memref<10000x128xf32, #tpu.memory_space<vmem_shared>> -> memref<80x128xf32, #tpu.memory_space<vmem_shared>>
        %dma_wait3A_101 = arith.constant 0 : i32
        %dma_wait3A_102 = tpu.memref_slice %arg12[%add3A_48, %dma_wait3A_101] : memref<10000x128xf32, #tpu.memory_space<vmem_shared>> -> memref<80x128xf32, #tpu.memory_space<vmem_shared>>
        tpu.wait_dma2 semaphore(%run_scoped3A : memref<!tpu.dma_semaphore, #tpu.memory_space<semaphore_mem>>) src(%arg9 : memref<80x128xf32, #tpu.memory_space<vmem>>) dst(%dma_wait3A_102 : memref<80x128xf32, #tpu.memory_space<vmem_shared>>)
        tpu.yield
      }) : () -> ()
      %mul3A_49 = arith.constant 1000 : i32
      %mul3A_50 = arith.muli %arg1, %mul3A_49 : i32
      %add3A_51 = arith.constant 80 : i32
      %add3A_52 = arith.addi %mul3A_50, %add3A_51 : i32
      "tpu.region"() ({
        %run_scoped3A = tpu.sem_alloc : memref<!tpu.dma_semaphore, #tpu.memory_space<semaphore_mem>>
        %dma_start3A = arith.constant 0 : i32
        %dma_start3A_97 = tpu.memref_slice %arg12[%add3A_52, %dma_start3A] : memref<10000x128xf32, #tpu.memory_space<vmem_shared>> -> memref<80x128xf32, #tpu.memory_space<vmem_shared>>
        %dma_start3A_98 = arith.constant 0 : i32
        %dma_start3A_99 = tpu.memref_slice %arg12[%add3A_52, %dma_start3A_98] : memref<10000x128xf32, #tpu.memory_space<vmem_shared>> -> memref<80x128xf32, #tpu.memory_space<vmem_shared>>
        tpu.enqueue_dma source(%arg9 : memref<80x128xf32, #tpu.memory_space<vmem>>) target(%dma_start3A_99 : memref<80x128xf32, #tpu.memory_space<vmem_shared>>) target_semaphore(%run_scoped3A : memref<!tpu.dma_semaphore, #tpu.memory_space<semaphore_mem>>)
        %dma_wait3A = arith.constant 0 : i32
        %dma_wait3A_100 = tpu.memref_slice %arg12[%add3A_52, %dma_wait3A] : memref<10000x128xf32, #tpu.memory_space<vmem_shared>> -> memref<80x128xf32, #tpu.memory_space<vmem_shared>>
        %dma_wait3A_101 = arith.constant 0 : i32
        %dma_wait3A_102 = tpu.memref_slice %arg12[%add3A_52, %dma_wait3A_101] : memref<10000x128xf32, #tpu.memory_space<vmem_shared>> -> memref<80x128xf32, #tpu.memory_space<vmem_shared>>
        tpu.wait_dma2 semaphore(%run_scoped3A : memref<!tpu.dma_semaphore, #tpu.memory_space<semaphore_mem>>) src(%arg9 : memref<80x128xf32, #tpu.memory_space<vmem>>) dst(%dma_wait3A_102 : memref<80x128xf32, #tpu.memory_space<vmem_shared>>)
        tpu.yield
      }) : () -> ()
      %mul3A_53 = arith.constant 1000 : i32
      %mul3A_54 = arith.muli %arg1, %mul3A_53 : i32
      %add3A_55 = arith.constant 160 : i32
      %add3A_56 = arith.addi %mul3A_54, %add3A_55 : i32
      "tpu.region"() ({
        %run_scoped3A = tpu.sem_alloc : memref<!tpu.dma_semaphore, #tpu.memory_space<semaphore_mem>>
        %dma_start3A = arith.constant 0 : i32
        %dma_start3A_97 = tpu.memref_slice %arg12[%add3A_56, %dma_start3A] : memref<10000x128xf32, #tpu.memory_space<vmem_shared>> -> memref<80x128xf32, #tpu.memory_space<vmem_shared>>
        %dma_start3A_98 = arith.constant 0 : i32
        %dma_start3A_99 = tpu.memref_slice %arg12[%add3A_56, %dma_start3A_98] : memref<10000x128xf32, #tpu.memory_space<vmem_shared>> -> memref<80x128xf32, #tpu.memory_space<vmem_shared>>
        tpu.enqueue_dma source(%arg9 : memref<80x128xf32, #tpu.memory_space<vmem>>) target(%dma_start3A_99 : memref<80x128xf32, #tpu.memory_space<vmem_shared>>) target_semaphore(%run_scoped3A : memref<!tpu.dma_semaphore, #tpu.memory_space<semaphore_mem>>)
        %dma_wait3A = arith.constant 0 : i32
        %dma_wait3A_100 = tpu.memref_slice %arg12[%add3A_56, %dma_wait3A] : memref<10000x128xf32, #tpu.memory_space<vmem_shared>> -> memref<80x128xf32, #tpu.memory_space<vmem_shared>>
        %dma_wait3A_101 = arith.constant 0 : i32
        %dma_wait3A_102 = tpu.memref_slice %arg12[%add3A_56, %dma_wait3A_101] : memref<10000x128xf32, #tpu.memory_space<vmem_shared>> -> memref<80x128xf32, #tpu.memory_space<vmem_shared>>
        tpu.wait_dma2 semaphore(%run_scoped3A : memref<!tpu.dma_semaphore, #tpu.memory_space<semaphore_mem>>) src(%arg9 : memref<80x128xf32, #tpu.memory_space<vmem>>) dst(%dma_wait3A_102 : memref<80x128xf32, #tpu.memory_space<vmem_shared>>)
        tpu.yield
      }) : () -> ()
      %mul3A_57 = arith.constant 1000 : i32
      %mul3A_58 = arith.muli %arg1, %mul3A_57 : i32
      %add3A_59 = arith.constant 240 : i32
      %add3A_60 = arith.addi %mul3A_58, %add3A_59 : i32
      "tpu.region"() ({
        %run_scoped3A = tpu.sem_alloc : memref<!tpu.dma_semaphore, #tpu.memory_space<semaphore_mem>>
        %dma_start3A = arith.constant 0 : i32
        %dma_start3A_97 = tpu.memref_slice %arg12[%add3A_60, %dma_start3A] : memref<10000x128xf32, #tpu.memory_space<vmem_shared>> -> memref<80x128xf32, #tpu.memory_space<vmem_shared>>
        %dma_start3A_98 = arith.constant 0 : i32
        %dma_start3A_99 = tpu.memref_slice %arg12[%add3A_60, %dma_start3A_98] : memref<10000x128xf32, #tpu.memory_space<vmem_shared>> -> memref<80x128xf32, #tpu.memory_space<vmem_shared>>
        tpu.enqueue_dma source(%arg9 : memref<80x128xf32, #tpu.memory_space<vmem>>) target(%dma_start3A_99 : memref<80x128xf32, #tpu.memory_space<vmem_shared>>) target_semaphore(%run_scoped3A : memref<!tpu.dma_semaphore, #tpu.memory_space<semaphore_mem>>)
        %dma_wait3A = arith.constant 0 : i32
        %dma_wait3A_100 = tpu.memref_slice %arg12[%add3A_60, %dma_wait3A] : memref<10000x128xf32, #tpu.memory_space<vmem_shared>> -> memref<80x128xf32, #tpu.memory_space<vmem_shared>>
        %dma_wait3A_101 = arith.constant 0 : i32
        %dma_wait3A_102 = tpu.memref_slice %arg12[%add3A_60, %dma_wait3A_101] : memref<10000x128xf32, #tpu.memory_space<vmem_shared>> -> memref<80x128xf32, #tpu.memory_space<vmem_shared>>
        tpu.wait_dma2 semaphore(%run_scoped3A : memref<!tpu.dma_semaphore, #tpu.memory_space<semaphore_mem>>) src(%arg9 : memref<80x128xf32, #tpu.memory_space<vmem>>) dst(%dma_wait3A_102 : memref<80x128xf32, #tpu.memory_space<vmem_shared>>)
        tpu.yield
      }) : () -> ()
      %mul3A_61 = arith.constant 1000 : i32
      %mul3A_62 = arith.muli %arg1, %mul3A_61 : i32
      %add3A_63 = arith.constant 320 : i32
      %add3A_64 = arith.addi %mul3A_62, %add3A_63 : i32
      "tpu.region"() ({
        %run_scoped3A = tpu.sem_alloc : memref<!tpu.dma_semaphore, #tpu.memory_space<semaphore_mem>>
        %dma_start3A = arith.constant 0 : i32
        %dma_start3A_97 = tpu.memref_slice %arg12[%add3A_64, %dma_start3A] : memref<10000x128xf32, #tpu.memory_space<vmem_shared>> -> memref<80x128xf32, #tpu.memory_space<vmem_shared>>
        %dma_start3A_98 = arith.constant 0 : i32
        %dma_start3A_99 = tpu.memref_slice %arg12[%add3A_64, %dma_start3A_98] : memref<10000x128xf32, #tpu.memory_space<vmem_shared>> -> memref<80x128xf32, #tpu.memory_space<vmem_shared>>
        tpu.enqueue_dma source(%arg9 : memref<80x128xf32, #tpu.memory_space<vmem>>) target(%dma_start3A_99 : memref<80x128xf32, #tpu.memory_space<vmem_shared>>) target_semaphore(%run_scoped3A : memref<!tpu.dma_semaphore, #tpu.memory_space<semaphore_mem>>)
        %dma_wait3A = arith.constant 0 : i32
        %dma_wait3A_100 = tpu.memref_slice %arg12[%add3A_64, %dma_wait3A] : memref<10000x128xf32, #tpu.memory_space<vmem_shared>> -> memref<80x128xf32, #tpu.memory_space<vmem_shared>>
        %dma_wait3A_101 = arith.constant 0 : i32
        %dma_wait3A_102 = tpu.memref_slice %arg12[%add3A_64, %dma_wait3A_101] : memref<10000x128xf32, #tpu.memory_space<vmem_shared>> -> memref<80x128xf32, #tpu.memory_space<vmem_shared>>
        tpu.wait_dma2 semaphore(%run_scoped3A : memref<!tpu.dma_semaphore, #tpu.memory_space<semaphore_mem>>) src(%arg9 : memref<80x128xf32, #tpu.memory_space<vmem>>) dst(%dma_wait3A_102 : memref<80x128xf32, #tpu.memory_space<vmem_shared>>)
        tpu.yield
      }) : () -> ()
      %mul3A_65 = arith.constant 1000 : i32
      %mul3A_66 = arith.muli %arg1, %mul3A_65 : i32
      %add3A_67 = arith.constant 400 : i32
      %add3A_68 = arith.addi %mul3A_66, %add3A_67 : i32
      "tpu.region"() ({
        %run_scoped3A = tpu.sem_alloc : memref<!tpu.dma_semaphore, #tpu.memory_space<semaphore_mem>>
        %dma_start3A = arith.constant 0 : i32
        %dma_start3A_97 = tpu.memref_slice %arg12[%add3A_68, %dma_start3A] : memref<10000x128xf32, #tpu.memory_space<vmem_shared>> -> memref<80x128xf32, #tpu.memory_space<vmem_shared>>
        %dma_start3A_98 = arith.constant 0 : i32
        %dma_start3A_99 = tpu.memref_slice %arg12[%add3A_68, %dma_start3A_98] : memref<10000x128xf32, #tpu.memory_space<vmem_shared>> -> memref<80x128xf32, #tpu.memory_space<vmem_shared>>
        tpu.enqueue_dma source(%arg9 : memref<80x128xf32, #tpu.memory_space<vmem>>) target(%dma_start3A_99 : memref<80x128xf32, #tpu.memory_space<vmem_shared>>) target_semaphore(%run_scoped3A : memref<!tpu.dma_semaphore, #tpu.memory_space<semaphore_mem>>)
        %dma_wait3A = arith.constant 0 : i32
        %dma_wait3A_100 = tpu.memref_slice %arg12[%add3A_68, %dma_wait3A] : memref<10000x128xf32, #tpu.memory_space<vmem_shared>> -> memref<80x128xf32, #tpu.memory_space<vmem_shared>>
        %dma_wait3A_101 = arith.constant 0 : i32
        %dma_wait3A_102 = tpu.memref_slice %arg12[%add3A_68, %dma_wait3A_101] : memref<10000x128xf32, #tpu.memory_space<vmem_shared>> -> memref<80x128xf32, #tpu.memory_space<vmem_shared>>
        tpu.wait_dma2 semaphore(%run_scoped3A : memref<!tpu.dma_semaphore, #tpu.memory_space<semaphore_mem>>) src(%arg9 : memref<80x128xf32, #tpu.memory_space<vmem>>) dst(%dma_wait3A_102 : memref<80x128xf32, #tpu.memory_space<vmem_shared>>)
        tpu.yield
      }) : () -> ()
      %mul3A_69 = arith.constant 1000 : i32
      %mul3A_70 = arith.muli %arg1, %mul3A_69 : i32
      %add3A_71 = arith.constant 480 : i32
      %add3A_72 = arith.addi %mul3A_70, %add3A_71 : i32
      "tpu.region"() ({
        %run_scoped3A = tpu.sem_alloc : memref<!tpu.dma_semaphore, #tpu.memory_space<semaphore_mem>>
        %dma_start3A = arith.constant 0 : i32
        %dma_start3A_97 = tpu.memref_slice %arg12[%add3A_72, %dma_start3A] : memref<10000x128xf32, #tpu.memory_space<vmem_shared>> -> memref<80x128xf32, #tpu.memory_space<vmem_shared>>
        %dma_start3A_98 = arith.constant 0 : i32
        %dma_start3A_99 = tpu.memref_slice %arg12[%add3A_72, %dma_start3A_98] : memref<10000x128xf32, #tpu.memory_space<vmem_shared>> -> memref<80x128xf32, #tpu.memory_space<vmem_shared>>
        tpu.enqueue_dma source(%arg9 : memref<80x128xf32, #tpu.memory_space<vmem>>) target(%dma_start3A_99 : memref<80x128xf32, #tpu.memory_space<vmem_shared>>) target_semaphore(%run_scoped3A : memref<!tpu.dma_semaphore, #tpu.memory_space<semaphore_mem>>)
        %dma_wait3A = arith.constant 0 : i32
        %dma_wait3A_100 = tpu.memref_slice %arg12[%add3A_72, %dma_wait3A] : memref<10000x128xf32, #tpu.memory_space<vmem_shared>> -> memref<80x128xf32, #tpu.memory_space<vmem_shared>>
        %dma_wait3A_101 = arith.constant 0 : i32
        %dma_wait3A_102 = tpu.memref_slice %arg12[%add3A_72, %dma_wait3A_101] : memref<10000x128xf32, #tpu.memory_space<vmem_shared>> -> memref<80x128xf32, #tpu.memory_space<vmem_shared>>
        tpu.wait_dma2 semaphore(%run_scoped3A : memref<!tpu.dma_semaphore, #tpu.memory_space<semaphore_mem>>) src(%arg9 : memref<80x128xf32, #tpu.memory_space<vmem>>) dst(%dma_wait3A_102 : memref<80x128xf32, #tpu.memory_space<vmem_shared>>)
        tpu.yield
      }) : () -> ()
      %mul3A_73 = arith.constant 1000 : i32
      %mul3A_74 = arith.muli %arg1, %mul3A_73 : i32
      %add3A_75 = arith.constant 560 : i32
      %add3A_76 = arith.addi %mul3A_74, %add3A_75 : i32
      "tpu.region"() ({
        %run_scoped3A = tpu.sem_alloc : memref<!tpu.dma_semaphore, #tpu.memory_space<semaphore_mem>>
        %dma_start3A = arith.constant 0 : i32
        %dma_start3A_97 = tpu.memref_slice %arg12[%add3A_76, %dma_start3A] : memref<10000x128xf32, #tpu.memory_space<vmem_shared>> -> memref<80x128xf32, #tpu.memory_space<vmem_shared>>
        %dma_start3A_98 = arith.constant 0 : i32
        %dma_start3A_99 = tpu.memref_slice %arg12[%add3A_76, %dma_start3A_98] : memref<10000x128xf32, #tpu.memory_space<vmem_shared>> -> memref<80x128xf32, #tpu.memory_space<vmem_shared>>
        tpu.enqueue_dma source(%arg9 : memref<80x128xf32, #tpu.memory_space<vmem>>) target(%dma_start3A_99 : memref<80x128xf32, #tpu.memory_space<vmem_shared>>) target_semaphore(%run_scoped3A : memref<!tpu.dma_semaphore, #tpu.memory_space<semaphore_mem>>)
        %dma_wait3A = arith.constant 0 : i32
        %dma_wait3A_100 = tpu.memref_slice %arg12[%add3A_76, %dma_wait3A] : memref<10000x128xf32, #tpu.memory_space<vmem_shared>> -> memref<80x128xf32, #tpu.memory_space<vmem_shared>>
        %dma_wait3A_101 = arith.constant 0 : i32
        %dma_wait3A_102 = tpu.memref_slice %arg12[%add3A_76, %dma_wait3A_101] : memref<10000x128xf32, #tpu.memory_space<vmem_shared>> -> memref<80x128xf32, #tpu.memory_space<vmem_shared>>
        tpu.wait_dma2 semaphore(%run_scoped3A : memref<!tpu.dma_semaphore, #tpu.memory_space<semaphore_mem>>) src(%arg9 : memref<80x128xf32, #tpu.memory_space<vmem>>) dst(%dma_wait3A_102 : memref<80x128xf32, #tpu.memory_space<vmem_shared>>)
        tpu.yield
      }) : () -> ()
      %mul3A_77 = arith.constant 1000 : i32
      %mul3A_78 = arith.muli %arg1, %mul3A_77 : i32
      %add3A_79 = arith.constant 640 : i32
      %add3A_80 = arith.addi %mul3A_78, %add3A_79 : i32
      "tpu.region"() ({
        %run_scoped3A = tpu.sem_alloc : memref<!tpu.dma_semaphore, #tpu.memory_space<semaphore_mem>>
        %dma_start3A = arith.constant 0 : i32
        %dma_start3A_97 = tpu.memref_slice %arg12[%add3A_80, %dma_start3A] : memref<10000x128xf32, #tpu.memory_space<vmem_shared>> -> memref<80x128xf32, #tpu.memory_space<vmem_shared>>
        %dma_start3A_98 = arith.constant 0 : i32
        %dma_start3A_99 = tpu.memref_slice %arg12[%add3A_80, %dma_start3A_98] : memref<10000x128xf32, #tpu.memory_space<vmem_shared>> -> memref<80x128xf32, #tpu.memory_space<vmem_shared>>
        tpu.enqueue_dma source(%arg9 : memref<80x128xf32, #tpu.memory_space<vmem>>) target(%dma_start3A_99 : memref<80x128xf32, #tpu.memory_space<vmem_shared>>) target_semaphore(%run_scoped3A : memref<!tpu.dma_semaphore, #tpu.memory_space<semaphore_mem>>)
        %dma_wait3A = arith.constant 0 : i32
        %dma_wait3A_100 = tpu.memref_slice %arg12[%add3A_80, %dma_wait3A] : memref<10000x128xf32, #tpu.memory_space<vmem_shared>> -> memref<80x128xf32, #tpu.memory_space<vmem_shared>>
        %dma_wait3A_101 = arith.constant 0 : i32
        %dma_wait3A_102 = tpu.memref_slice %arg12[%add3A_80, %dma_wait3A_101] : memref<10000x128xf32, #tpu.memory_space<vmem_shared>> -> memref<80x128xf32, #tpu.memory_space<vmem_shared>>
        tpu.wait_dma2 semaphore(%run_scoped3A : memref<!tpu.dma_semaphore, #tpu.memory_space<semaphore_mem>>) src(%arg9 : memref<80x128xf32, #tpu.memory_space<vmem>>) dst(%dma_wait3A_102 : memref<80x128xf32, #tpu.memory_space<vmem_shared>>)
        tpu.yield
      }) : () -> ()
      %mul3A_81 = arith.constant 1000 : i32
      %mul3A_82 = arith.muli %arg1, %mul3A_81 : i32
      %add3A_83 = arith.constant 720 : i32
      %add3A_84 = arith.addi %mul3A_82, %add3A_83 : i32
      "tpu.region"() ({
        %run_scoped3A = tpu.sem_alloc : memref<!tpu.dma_semaphore, #tpu.memory_space<semaphore_mem>>
        %dma_start3A = arith.constant 0 : i32
        %dma_start3A_97 = tpu.memref_slice %arg12[%add3A_84, %dma_start3A] : memref<10000x128xf32, #tpu.memory_space<vmem_shared>> -> memref<80x128xf32, #tpu.memory_space<vmem_shared>>
        %dma_start3A_98 = arith.constant 0 : i32
        %dma_start3A_99 = tpu.memref_slice %arg12[%add3A_84, %dma_start3A_98] : memref<10000x128xf32, #tpu.memory_space<vmem_shared>> -> memref<80x128xf32, #tpu.memory_space<vmem_shared>>
        tpu.enqueue_dma source(%arg9 : memref<80x128xf32, #tpu.memory_space<vmem>>) target(%dma_start3A_99 : memref<80x128xf32, #tpu.memory_space<vmem_shared>>) target_semaphore(%run_scoped3A : memref<!tpu.dma_semaphore, #tpu.memory_space<semaphore_mem>>)
        %dma_wait3A = arith.constant 0 : i32
        %dma_wait3A_100 = tpu.memref_slice %arg12[%add3A_84, %dma_wait3A] : memref<10000x128xf32, #tpu.memory_space<vmem_shared>> -> memref<80x128xf32, #tpu.memory_space<vmem_shared>>
        %dma_wait3A_101 = arith.constant 0 : i32
        %dma_wait3A_102 = tpu.memref_slice %arg12[%add3A_84, %dma_wait3A_101] : memref<10000x128xf32, #tpu.memory_space<vmem_shared>> -> memref<80x128xf32, #tpu.memory_space<vmem_shared>>
        tpu.wait_dma2 semaphore(%run_scoped3A : memref<!tpu.dma_semaphore, #tpu.memory_space<semaphore_mem>>) src(%arg9 : memref<80x128xf32, #tpu.memory_space<vmem>>) dst(%dma_wait3A_102 : memref<80x128xf32, #tpu.memory_space<vmem_shared>>)
        tpu.yield
      }) : () -> ()
      %mul3A_85 = arith.constant 1000 : i32
      %mul3A_86 = arith.muli %arg1, %mul3A_85 : i32
      %add3A_87 = arith.constant 800 : i32
      %add3A_88 = arith.addi %mul3A_86, %add3A_87 : i32
      "tpu.region"() ({
        %run_scoped3A = tpu.sem_alloc : memref<!tpu.dma_semaphore, #tpu.memory_space<semaphore_mem>>
        %dma_start3A = arith.constant 0 : i32
        %dma_start3A_97 = tpu.memref_slice %arg12[%add3A_88, %dma_start3A] : memref<10000x128xf32, #tpu.memory_space<vmem_shared>> -> memref<80x128xf32, #tpu.memory_space<vmem_shared>>
        %dma_start3A_98 = arith.constant 0 : i32
        %dma_start3A_99 = tpu.memref_slice %arg12[%add3A_88, %dma_start3A_98] : memref<10000x128xf32, #tpu.memory_space<vmem_shared>> -> memref<80x128xf32, #tpu.memory_space<vmem_shared>>
        tpu.enqueue_dma source(%arg9 : memref<80x128xf32, #tpu.memory_space<vmem>>) target(%dma_start3A_99 : memref<80x128xf32, #tpu.memory_space<vmem_shared>>) target_semaphore(%run_scoped3A : memref<!tpu.dma_semaphore, #tpu.memory_space<semaphore_mem>>)
        %dma_wait3A = arith.constant 0 : i32
        %dma_wait3A_100 = tpu.memref_slice %arg12[%add3A_88, %dma_wait3A] : memref<10000x128xf32, #tpu.memory_space<vmem_shared>> -> memref<80x128xf32, #tpu.memory_space<vmem_shared>>
        %dma_wait3A_101 = arith.constant 0 : i32
        %dma_wait3A_102 = tpu.memref_slice %arg12[%add3A_88, %dma_wait3A_101] : memref<10000x128xf32, #tpu.memory_space<vmem_shared>> -> memref<80x128xf32, #tpu.memory_space<vmem_shared>>
        tpu.wait_dma2 semaphore(%run_scoped3A : memref<!tpu.dma_semaphore, #tpu.memory_space<semaphore_mem>>) src(%arg9 : memref<80x128xf32, #tpu.memory_space<vmem>>) dst(%dma_wait3A_102 : memref<80x128xf32, #tpu.memory_space<vmem_shared>>)
        tpu.yield
      }) : () -> ()
      %mul3A_89 = arith.constant 1000 : i32
      %mul3A_90 = arith.muli %arg1, %mul3A_89 : i32
      %add3A_91 = arith.constant 880 : i32
      %add3A_92 = arith.addi %mul3A_90, %add3A_91 : i32
      "tpu.region"() ({
        %run_scoped3A = tpu.sem_alloc : memref<!tpu.dma_semaphore, #tpu.memory_space<semaphore_mem>>
        %dma_start3A = arith.constant 0 : i32
        %dma_start3A_97 = tpu.memref_slice %arg12[%add3A_92, %dma_start3A] : memref<10000x128xf32, #tpu.memory_space<vmem_shared>> -> memref<80x128xf32, #tpu.memory_space<vmem_shared>>
        %dma_start3A_98 = arith.constant 0 : i32
        %dma_start3A_99 = tpu.memref_slice %arg12[%add3A_92, %dma_start3A_98] : memref<10000x128xf32, #tpu.memory_space<vmem_shared>> -> memref<80x128xf32, #tpu.memory_space<vmem_shared>>
        tpu.enqueue_dma source(%arg9 : memref<80x128xf32, #tpu.memory_space<vmem>>) target(%dma_start3A_99 : memref<80x128xf32, #tpu.memory_space<vmem_shared>>) target_semaphore(%run_scoped3A : memref<!tpu.dma_semaphore, #tpu.memory_space<semaphore_mem>>)
        %dma_wait3A = arith.constant 0 : i32
        %dma_wait3A_100 = tpu.memref_slice %arg12[%add3A_92, %dma_wait3A] : memref<10000x128xf32, #tpu.memory_space<vmem_shared>> -> memref<80x128xf32, #tpu.memory_space<vmem_shared>>
        %dma_wait3A_101 = arith.constant 0 : i32
        %dma_wait3A_102 = tpu.memref_slice %arg12[%add3A_92, %dma_wait3A_101] : memref<10000x128xf32, #tpu.memory_space<vmem_shared>> -> memref<80x128xf32, #tpu.memory_space<vmem_shared>>
        tpu.wait_dma2 semaphore(%run_scoped3A : memref<!tpu.dma_semaphore, #tpu.memory_space<semaphore_mem>>) src(%arg9 : memref<80x128xf32, #tpu.memory_space<vmem>>) dst(%dma_wait3A_102 : memref<80x128xf32, #tpu.memory_space<vmem_shared>>)
        tpu.yield
      }) : () -> ()
      %mul3A_93 = arith.constant 1000 : i32
      %mul3A_94 = arith.muli %arg1, %mul3A_93 : i32
      %add3A_95 = arith.constant 960 : i32
      %add3A_96 = arith.addi %mul3A_94, %add3A_95 : i32
      "tpu.region"() ({
        %run_scoped3A = tpu.sem_alloc : memref<!tpu.dma_semaphore, #tpu.memory_space<semaphore_mem>>
        %dma_start3A = arith.constant 0 : i32
        %dma_start3A_97 = arith.constant 0 : i32
        %dma_start3A_98 = tpu.memref_slice %arg9[%dma_start3A, %dma_start3A_97] : memref<80x128xf32, #tpu.memory_space<vmem>> -> memref<40x128xf32, #tpu.memory_space<vmem>>
        %dma_start3A_99 = arith.constant 0 : i32
        %dma_start3A_100 = tpu.memref_slice %arg12[%add3A_96, %dma_start3A_99] : memref<10000x128xf32, #tpu.memory_space<vmem_shared>> -> memref<40x128xf32, #tpu.memory_space<vmem_shared>>
        %dma_start3A_101 = arith.constant 0 : i32
        %dma_start3A_102 = tpu.memref_slice %arg12[%add3A_96, %dma_start3A_101] : memref<10000x128xf32, #tpu.memory_space<vmem_shared>> -> memref<40x128xf32, #tpu.memory_space<vmem_shared>>
        %dma_start3A_103 = arith.constant 0 : i32
        %dma_start3A_104 = arith.constant 0 : i32
        %dma_start3A_105 = tpu.memref_slice %arg9[%dma_start3A_103, %dma_start3A_104] : memref<80x128xf32, #tpu.memory_space<vmem>> -> memref<40x128xf32, #tpu.memory_space<vmem>>
        tpu.enqueue_dma source(%dma_start3A_105 : memref<40x128xf32, #tpu.memory_space<vmem>>) target(%dma_start3A_102 : memref<40x128xf32, #tpu.memory_space<vmem_shared>>) target_semaphore(%run_scoped3A : memref<!tpu.dma_semaphore, #tpu.memory_space<semaphore_mem>>)
        %dma_wait3A = arith.constant 0 : i32
        %dma_wait3A_106 = arith.constant 0 : i32
        %dma_wait3A_107 = tpu.memref_slice %arg9[%dma_wait3A, %dma_wait3A_106] : memref<80x128xf32, #tpu.memory_space<vmem>> -> memref<40x128xf32, #tpu.memory_space<vmem>>
        %dma_wait3A_108 = arith.constant 0 : i32
        %dma_wait3A_109 = tpu.memref_slice %arg12[%add3A_96, %dma_wait3A_108] : memref<10000x128xf32, #tpu.memory_space<vmem_shared>> -> memref<40x128xf32, #tpu.memory_space<vmem_shared>>
        %dma_wait3A_110 = arith.constant 0 : i32
        %dma_wait3A_111 = tpu.memref_slice %arg12[%add3A_96, %dma_wait3A_110] : memref<10000x128xf32, #tpu.memory_space<vmem_shared>> -> memref<40x128xf32, #tpu.memory_space<vmem_shared>>
        %dma_wait3A_112 = arith.constant 0 : i32
        %dma_wait3A_113 = arith.constant 0 : i32
        %dma_wait3A_114 = tpu.memref_slice %arg9[%dma_wait3A_112, %dma_wait3A_113] : memref<80x128xf32, #tpu.memory_space<vmem>> -> memref<40x128xf32, #tpu.memory_space<vmem>>
        tpu.wait_dma2 semaphore(%run_scoped3A : memref<!tpu.dma_semaphore, #tpu.memory_space<semaphore_mem>>) src(%dma_wait3A_114 : memref<40x128xf32, #tpu.memory_space<vmem>>) dst(%dma_wait3A_111 : memref<40x128xf32, #tpu.memory_space<vmem_shared>>)
        tpu.yield
      }) : () -> ()
    } else {
    }
    %lt3A_23 = arith.constant 5 : i32
    %lt3A_24 = arith.cmpi slt, %arg1, %lt3A_23 : i32
    %convert_element_type3A_25 = arith.extui %lt3A_24 : i1 to i32
    %cond3A_26 = arith.constant 0 : i32
    %cond3A_27 = arith.cmpi ne, %convert_element_type3A_25, %cond3A_26 : i32
    scf.if %cond3A_27 {
      %mul3A_45 = arith.constant 2000 : i32
      %mul3A_46 = arith.muli %arg1, %mul3A_45 : i32
      "tpu.region"() ({
        %run_scoped3A = tpu.sem_alloc : memref<!tpu.dma_semaphore, #tpu.memory_space<semaphore_mem>>
        %dma_start3A = tpu.memref_slice %arg13[%mul3A_46] : memref<10000xf32, #tpu.memory_space<vmem_shared>> -> memref<2000xf32, #tpu.memory_space<vmem_shared>>
        %dma_start3A_47 = tpu.memref_slice %arg13[%mul3A_46] : memref<10000xf32, #tpu.memory_space<vmem_shared>> -> memref<2000xf32, #tpu.memory_space<vmem_shared>>
        tpu.enqueue_dma source(%arg11 : memref<2000xf32, #tpu.memory_space<vmem>>) target(%dma_start3A_47 : memref<2000xf32, #tpu.memory_space<vmem_shared>>) target_semaphore(%run_scoped3A : memref<!tpu.dma_semaphore, #tpu.memory_space<semaphore_mem>>)
        %dma_wait3A = tpu.memref_slice %arg13[%mul3A_46] : memref<10000xf32, #tpu.memory_space<vmem_shared>> -> memref<2000xf32, #tpu.memory_space<vmem_shared>>
        %dma_wait3A_48 = tpu.memref_slice %arg13[%mul3A_46] : memref<10000xf32, #tpu.memory_space<vmem_shared>> -> memref<2000xf32, #tpu.memory_space<vmem_shared>>
        tpu.wait_dma2 semaphore(%run_scoped3A : memref<!tpu.dma_semaphore, #tpu.memory_space<semaphore_mem>>) src(%arg11 : memref<2000xf32, #tpu.memory_space<vmem>>) dst(%dma_wait3A_48 : memref<2000xf32, #tpu.memory_space<vmem_shared>>)
        tpu.yield
      }) : () -> ()
    } else {
    }
    %barrier3A = arith.constant 0 : index
    tpu.barrier barrier_id(%barrier3A)
    %scan3A_28 = arith.constant 0 : i32
    %scan3A_29 = arith.constant 0 : i32
    %scan3A_30 = arith.constant 5 : i32
    %scan3A_31 = arith.addi %scan3A_29, %scan3A_30 : i32
    %scan3A_32 = arith.constant 1 : i32
    %scan3A_33 = scf.for %scan3A_45 = %scan3A_29 to %scan3A_31 step %scan3A_32 iter_args(%scan3A_46 = %scan3A_28) -> (i32)  : i32 {
      "tpu.region"() ({
        %run_scoped3A = tpu.sem_alloc : memref<!tpu.dma_semaphore, #tpu.memory_space<semaphore_mem>>
        %dma_start3A = arith.constant 0 : i32
        %dma_start3A_55 = arith.constant 0 : i32
        %dma_start3A_56 = tpu.memref_slice %arg3[%add3A, %scan3A_45, %dma_start3A, %dma_start3A_55] : memref<32x5x25x80xi32, #tpu.memory_space<hbm>> -> memref<1x1x25x80xi32, #tpu.memory_space<hbm>>
        %dma_start3A_57 = tpu.memref_squeeze %dma_start3A_56 : memref<1x1x25x80xi32, #tpu.memory_space<hbm>> -> memref<25x80xi32, #tpu.memory_space<hbm>>
        %dma_start3A_58 = arith.constant 0 : i32
        %dma_start3A_59 = arith.constant 0 : i32
        %dma_start3A_60 = tpu.memref_slice %arg3[%add3A, %scan3A_45, %dma_start3A_58, %dma_start3A_59] : memref<32x5x25x80xi32, #tpu.memory_space<hbm>> -> memref<1x1x25x80xi32, #tpu.memory_space<hbm>>
        %dma_start3A_61 = tpu.memref_squeeze %dma_start3A_60 : memref<1x1x25x80xi32, #tpu.memory_space<hbm>> -> memref<25x80xi32, #tpu.memory_space<hbm>>
        tpu.enqueue_dma source(%dma_start3A_61 : memref<25x80xi32, #tpu.memory_space<hbm>>) target(%arg7 : memref<25x80xi32, #tpu.memory_space<vmem>>) target_semaphore(%run_scoped3A : memref<!tpu.dma_semaphore, #tpu.memory_space<semaphore_mem>>)
        %dma_wait3A = arith.constant 0 : i32
        %dma_wait3A_62 = arith.constant 0 : i32
        %dma_wait3A_63 = tpu.memref_slice %arg3[%add3A, %scan3A_45, %dma_wait3A, %dma_wait3A_62] : memref<32x5x25x80xi32, #tpu.memory_space<hbm>> -> memref<1x1x25x80xi32, #tpu.memory_space<hbm>>
        %dma_wait3A_64 = tpu.memref_squeeze %dma_wait3A_63 : memref<1x1x25x80xi32, #tpu.memory_space<hbm>> -> memref<25x80xi32, #tpu.memory_space<hbm>>
        %dma_wait3A_65 = arith.constant 0 : i32
        %dma_wait3A_66 = arith.constant 0 : i32
        %dma_wait3A_67 = tpu.memref_slice %arg3[%add3A, %scan3A_45, %dma_wait3A_65, %dma_wait3A_66] : memref<32x5x25x80xi32, #tpu.memory_space<hbm>> -> memref<1x1x25x80xi32, #tpu.memory_space<hbm>>
        %dma_wait3A_68 = tpu.memref_squeeze %dma_wait3A_67 : memref<1x1x25x80xi32, #tpu.memory_space<hbm>> -> memref<25x80xi32, #tpu.memory_space<hbm>>
        tpu.wait_dma2 semaphore(%run_scoped3A : memref<!tpu.dma_semaphore, #tpu.memory_space<semaphore_mem>>) src(%dma_wait3A_68 : memref<25x80xi32, #tpu.memory_space<hbm>>) dst(%arg7 : memref<25x80xi32, #tpu.memory_space<vmem>>)
        tpu.yield
      }) : () -> ()
      "tpu.region"() ({
        %run_scoped3A = tpu.sem_alloc : memref<!tpu.dma_semaphore, #tpu.memory_space<semaphore_mem>>
        %dma_start3A = arith.constant 0 : i32
        %dma_start3A_55 = arith.constant 0 : i32
        %dma_start3A_56 = tpu.memref_slice %arg4[%add3A, %scan3A_45, %dma_start3A, %dma_start3A_55] : memref<32x5x25x80xi32, #tpu.memory_space<hbm>> -> memref<1x1x25x80xi32, #tpu.memory_space<hbm>>
        %dma_start3A_57 = tpu.memref_squeeze %dma_start3A_56 : memref<1x1x25x80xi32, #tpu.memory_space<hbm>> -> memref<25x80xi32, #tpu.memory_space<hbm>>
        %dma_start3A_58 = arith.constant 0 : i32
        %dma_start3A_59 = arith.constant 0 : i32
        %dma_start3A_60 = tpu.memref_slice %arg4[%add3A, %scan3A_45, %dma_start3A_58, %dma_start3A_59] : memref<32x5x25x80xi32, #tpu.memory_space<hbm>> -> memref<1x1x25x80xi32, #tpu.memory_space<hbm>>
        %dma_start3A_61 = tpu.memref_squeeze %dma_start3A_60 : memref<1x1x25x80xi32, #tpu.memory_space<hbm>> -> memref<25x80xi32, #tpu.memory_space<hbm>>
        tpu.enqueue_dma source(%dma_start3A_61 : memref<25x80xi32, #tpu.memory_space<hbm>>) target(%arg8 : memref<25x80xi32, #tpu.memory_space<vmem>>) target_semaphore(%run_scoped3A : memref<!tpu.dma_semaphore, #tpu.memory_space<semaphore_mem>>)
        %dma_wait3A = arith.constant 0 : i32
        %dma_wait3A_62 = arith.constant 0 : i32
        %dma_wait3A_63 = tpu.memref_slice %arg4[%add3A, %scan3A_45, %dma_wait3A, %dma_wait3A_62] : memref<32x5x25x80xi32, #tpu.memory_space<hbm>> -> memref<1x1x25x80xi32, #tpu.memory_space<hbm>>
        %dma_wait3A_64 = tpu.memref_squeeze %dma_wait3A_63 : memref<1x1x25x80xi32, #tpu.memory_space<hbm>> -> memref<25x80xi32, #tpu.memory_space<hbm>>
        %dma_wait3A_65 = arith.constant 0 : i32
        %dma_wait3A_66 = arith.constant 0 : i32
        %dma_wait3A_67 = tpu.memref_slice %arg4[%add3A, %scan3A_45, %dma_wait3A_65, %dma_wait3A_66] : memref<32x5x25x80xi32, #tpu.memory_space<hbm>> -> memref<1x1x25x80xi32, #tpu.memory_space<hbm>>
        %dma_wait3A_68 = tpu.memref_squeeze %dma_wait3A_67 : memref<1x1x25x80xi32, #tpu.memory_space<hbm>> -> memref<25x80xi32, #tpu.memory_space<hbm>>
        tpu.wait_dma2 semaphore(%run_scoped3A : memref<!tpu.dma_semaphore, #tpu.memory_space<semaphore_mem>>) src(%dma_wait3A_68 : memref<25x80xi32, #tpu.memory_space<hbm>>) dst(%arg8 : memref<25x80xi32, #tpu.memory_space<vmem>>)
        tpu.yield
      }) : () -> ()
      %scan3A_47 = arith.constant 0 : i32
      %scan3A_48 = arith.constant 0 : i32
      %scan3A_49 = arith.constant 25 : i32
      %scan3A_50 = arith.addi %scan3A_48, %scan3A_49 : i32
      %scan3A_51 = arith.constant 1 : i32
      %scan3A_52 = scf.for %scan3A_55 = %scan3A_48 to %scan3A_50 step %scan3A_51 iter_args(%scan3A_56 = %scan3A_47) -> (i32)  : i32 {
        %dma_start3A = arith.constant 0 : i32
        %dma_start3A_57 = tpu.memref_slice %arg7[%scan3A_55, %dma_start3A] : memref<25x80xi32, #tpu.memory_space<vmem>> -> memref<1x80xi32, #tpu.memory_space<vmem>>
        %dma_start3A_58 = tpu.memref_squeeze %dma_start3A_57 : memref<1x80xi32, #tpu.memory_space<vmem>> -> memref<80xi32, #tpu.memory_space<vmem>>
        %dma_start3A_59 = arith.constant 0 : i32
        %dma_start3A_60 = arith.constant 0 : i32
        %dma_start3A_61 = tpu.memref_slice %arg2[%dma_start3A_59, %dma_start3A_60] : memref<80000x128xf32, #tpu.memory_space<hbm>> -> memref<80000x128xf32, #tpu.memory_space<hbm>>
        tpu.enqueue_indirect_dma source(%dma_start3A_61 : memref<80000x128xf32, #tpu.memory_space<hbm>>) target(%arg9 : memref<80x128xf32, #tpu.memory_space<vmem>>) offsets(%dma_start3A_58 : memref<80xi32, #tpu.memory_space<vmem>>) semaphore(%arg14 : memref<!tpu.dma_semaphore, #tpu.memory_space<semaphore_mem>>)
        %dma_wait3A = arith.constant 0 : i32
        %dma_wait3A_62 = tpu.memref_slice %arg7[%scan3A_55, %dma_wait3A] : memref<25x80xi32, #tpu.memory_space<vmem>> -> memref<1x80xi32, #tpu.memory_space<vmem>>
        %dma_wait3A_63 = tpu.memref_squeeze %dma_wait3A_62 : memref<1x80xi32, #tpu.memory_space<vmem>> -> memref<80xi32, #tpu.memory_space<vmem>>
        %dma_wait3A_64 = arith.constant 0 : i32
        %dma_wait3A_65 = arith.constant 0 : i32
        %dma_wait3A_66 = tpu.memref_slice %arg2[%dma_wait3A_64, %dma_wait3A_65] : memref<80000x128xf32, #tpu.memory_space<hbm>> -> memref<80000x128xf32, #tpu.memory_space<hbm>>
        tpu.wait_indirect_dma semaphore(%arg14 : memref<!tpu.dma_semaphore, #tpu.memory_space<semaphore_mem>>) src(%dma_wait3A_66 : memref<80000x128xf32, #tpu.memory_space<hbm>>) dst(%arg9 : memref<80x128xf32, #tpu.memory_space<vmem>>)
        "tpu.region"() ({
          %run_scoped3A = tpu.sem_alloc : memref<!tpu.dma_semaphore, #tpu.memory_space<semaphore_mem>>
          %dma_start3A_68 = arith.constant 0 : i32
          %dma_start3A_69 = tpu.memref_slice %arg8[%scan3A_55, %dma_start3A_68] : memref<25x80xi32, #tpu.memory_space<vmem>> -> memref<1x80xi32, #tpu.memory_space<vmem>>
          %dma_start3A_70 = tpu.memref_squeeze %dma_start3A_69 : memref<1x80xi32, #tpu.memory_space<vmem>> -> memref<80xi32, #tpu.memory_space<vmem>>
          %dma_start3A_71 = arith.constant 0 : i32
          %dma_start3A_72 = arith.constant 0 : i32
          %dma_start3A_73 = tpu.memref_slice %arg12[%dma_start3A_71, %dma_start3A_72] : memref<10000x128xf32, #tpu.memory_space<vmem_shared>> -> memref<10000x128xf32, #tpu.memory_space<vmem_shared>>
          tpu.enqueue_indirect_dma source(%arg9 : memref<80x128xf32, #tpu.memory_space<vmem>>) target(%dma_start3A_73 : memref<10000x128xf32, #tpu.memory_space<vmem_shared>>) offsets(%dma_start3A_70 : memref<80xi32, #tpu.memory_space<vmem>>) semaphore(%run_scoped3A : memref<!tpu.dma_semaphore, #tpu.memory_space<semaphore_mem>>) {add = true}
          %dma_wait3A_74 = arith.constant 0 : i32
          %dma_wait3A_75 = tpu.memref_slice %arg8[%scan3A_55, %dma_wait3A_74] : memref<25x80xi32, #tpu.memory_space<vmem>> -> memref<1x80xi32, #tpu.memory_space<vmem>>
          %dma_wait3A_76 = tpu.memref_squeeze %dma_wait3A_75 : memref<1x80xi32, #tpu.memory_space<vmem>> -> memref<80xi32, #tpu.memory_space<vmem>>
          %dma_wait3A_77 = arith.constant 0 : i32
          %dma_wait3A_78 = arith.constant 0 : i32
          %dma_wait3A_79 = tpu.memref_slice %arg12[%dma_wait3A_77, %dma_wait3A_78] : memref<10000x128xf32, #tpu.memory_space<vmem_shared>> -> memref<10000x128xf32, #tpu.memory_space<vmem_shared>>
          tpu.wait_indirect_dma semaphore(%run_scoped3A : memref<!tpu.dma_semaphore, #tpu.memory_space<semaphore_mem>>) src(%arg9 : memref<80x128xf32, #tpu.memory_space<vmem>>) dst(%dma_wait3A_79 : memref<10000x128xf32, #tpu.memory_space<vmem_shared>>)
          tpu.yield
        }) : () -> ()
        "tpu.region"() ({
          %run_scoped3A = tpu.sem_alloc : memref<!tpu.dma_semaphore, #tpu.memory_space<semaphore_mem>>
          %dma_start3A_68 = arith.constant 0 : i32
          %dma_start3A_69 = tpu.memref_slice %arg8[%scan3A_55, %dma_start3A_68] : memref<25x80xi32, #tpu.memory_space<vmem>> -> memref<1x80xi32, #tpu.memory_space<vmem>>
          %dma_start3A_70 = tpu.memref_squeeze %dma_start3A_69 : memref<1x80xi32, #tpu.memory_space<vmem>> -> memref<80xi32, #tpu.memory_space<vmem>>
          %dma_start3A_71 = arith.constant 0 : i32
          %dma_start3A_72 = tpu.memref_slice %arg13[%dma_start3A_71] : memref<10000xf32, #tpu.memory_space<vmem_shared>> -> memref<10000xf32, #tpu.memory_space<vmem_shared>>
          tpu.enqueue_indirect_dma source(%arg10 : memref<80xf32, #tpu.memory_space<vmem>>) target(%dma_start3A_72 : memref<10000xf32, #tpu.memory_space<vmem_shared>>) offsets(%dma_start3A_70 : memref<80xi32, #tpu.memory_space<vmem>>) semaphore(%run_scoped3A : memref<!tpu.dma_semaphore, #tpu.memory_space<semaphore_mem>>) {add = true}
          %dma_wait3A_73 = arith.constant 0 : i32
          %dma_wait3A_74 = tpu.memref_slice %arg8[%scan3A_55, %dma_wait3A_73] : memref<25x80xi32, #tpu.memory_space<vmem>> -> memref<1x80xi32, #tpu.memory_space<vmem>>
          %dma_wait3A_75 = tpu.memref_squeeze %dma_wait3A_74 : memref<1x80xi32, #tpu.memory_space<vmem>> -> memref<80xi32, #tpu.memory_space<vmem>>
          %dma_wait3A_76 = arith.constant 0 : i32
          %dma_wait3A_77 = tpu.memref_slice %arg13[%dma_wait3A_76] : memref<10000xf32, #tpu.memory_space<vmem_shared>> -> memref<10000xf32, #tpu.memory_space<vmem_shared>>
          tpu.wait_indirect_dma semaphore(%run_scoped3A : memref<!tpu.dma_semaphore, #tpu.memory_space<semaphore_mem>>) src(%arg10 : memref<80xf32, #tpu.memory_space<vmem>>) dst(%dma_wait3A_77 : memref<10000xf32, #tpu.memory_space<vmem_shared>>)
          tpu.yield
        }) : () -> ()
        %scan3A_67 = arith.constant 0 : i32
        scf.yield %scan3A_67 : i32
      }
      %scan3A_53 = arith.constant 25 : i32
      %scan3A_54 = arith.constant 0 : i32
      scf.yield %scan3A_54 : i32
    }
    %scan3A_34 = arith.constant 5 : i32
    %barrier3A_35 = arith.constant 0 : index
    tpu.barrier barrier_id(%barrier3A_35)
    %lt3A_36 = arith.constant 10 : i32
    %lt3A_37 = arith.cmpi slt, %arg1, %lt3A_36 : i32
    %convert_element_type3A_38 = arith.extui %lt3A_37 : i1 to i32
    %cond3A_39 = arith.constant 0 : i32
    %cond3A_40 = arith.cmpi ne, %convert_element_type3A_38, %cond3A_39 : i32
    scf.if %cond3A_40 {
      %mul3A_45 = arith.constant 1000 : i32
      %mul3A_46 = arith.muli %arg1, %mul3A_45 : i32
      %mul3A_47 = arith.constant 1000 : i32
      %mul3A_48 = arith.muli %arg1, %mul3A_47 : i32
      "tpu.region"() ({
        %run_scoped3A = tpu.sem_alloc : memref<!tpu.dma_semaphore, #tpu.memory_space<semaphore_mem>>
        %dma_start3A = arith.constant 0 : i32
        %dma_start3A_49 = tpu.memref_slice %arg5[%arg0, %mul3A_48, %dma_start3A] : memref<2x10000x128xf32, #tpu.memory_space<hbm>> -> memref<1x1000x128xf32, #tpu.memory_space<hbm>>
        %dma_start3A_50 = tpu.memref_squeeze %dma_start3A_49 : memref<1x1000x128xf32, #tpu.memory_space<hbm>> -> memref<1000x128xf32, #tpu.memory_space<hbm>>
        %dma_start3A_51 = arith.constant 0 : i32
        %dma_start3A_52 = tpu.memref_slice %arg12[%mul3A_46, %dma_start3A_51] : memref<10000x128xf32, #tpu.memory_space<vmem_shared>> -> memref<1000x128xf32, #tpu.memory_space<vmem_shared>>
        tpu.enqueue_dma source(%dma_start3A_52 : memref<1000x128xf32, #tpu.memory_space<vmem_shared>>) target(%dma_start3A_50 : memref<1000x128xf32, #tpu.memory_space<hbm>>) target_semaphore(%run_scoped3A : memref<!tpu.dma_semaphore, #tpu.memory_space<semaphore_mem>>)
        %dma_wait3A = arith.constant 0 : i32
        %dma_wait3A_53 = tpu.memref_slice %arg5[%arg0, %mul3A_48, %dma_wait3A] : memref<2x10000x128xf32, #tpu.memory_space<hbm>> -> memref<1x1000x128xf32, #tpu.memory_space<hbm>>
        %dma_wait3A_54 = tpu.memref_squeeze %dma_wait3A_53 : memref<1x1000x128xf32, #tpu.memory_space<hbm>> -> memref<1000x128xf32, #tpu.memory_space<hbm>>
        %dma_wait3A_55 = arith.constant 0 : i32
        %dma_wait3A_56 = tpu.memref_slice %arg12[%mul3A_46, %dma_wait3A_55] : memref<10000x128xf32, #tpu.memory_space<vmem_shared>> -> memref<1000x128xf32, #tpu.memory_space<vmem_shared>>
        tpu.wait_dma2 semaphore(%run_scoped3A : memref<!tpu.dma_semaphore, #tpu.memory_space<semaphore_mem>>) src(%dma_wait3A_56 : memref<1000x128xf32, #tpu.memory_space<vmem_shared>>) dst(%dma_wait3A_54 : memref<1000x128xf32, #tpu.memory_space<hbm>>)
        tpu.yield
      }) : () -> ()
    } else {
    }
    %eq3A = arith.constant 10 : i32
    %eq3A_41 = arith.cmpi eq, %arg1, %eq3A : i32
    %convert_element_type3A_42 = arith.extui %eq3A_41 : i1 to i32
    %cond3A_43 = arith.constant 0 : i32
    %cond3A_44 = arith.cmpi ne, %convert_element_type3A_42, %cond3A_43 : i32
    scf.if %cond3A_44 {
      "tpu.region"() ({
        %run_scoped3A = tpu.sem_alloc : memref<!tpu.dma_semaphore, #tpu.memory_space<semaphore_mem>>
        %dma_start3A = arith.constant 0 : i32
        %dma_start3A_45 = tpu.memref_slice %arg6[%arg0, %dma_start3A] : memref<2x10000xf32, #tpu.memory_space<hbm>> -> memref<1x10000xf32, #tpu.memory_space<hbm>>
        %dma_start3A_46 = tpu.memref_squeeze %dma_start3A_45 : memref<1x10000xf32, #tpu.memory_space<hbm>> -> memref<10000xf32, #tpu.memory_space<hbm>>
        tpu.enqueue_dma source(%arg13 : memref<10000xf32, #tpu.memory_space<vmem_shared>>) target(%dma_start3A_46 : memref<10000xf32, #tpu.memory_space<hbm>>) target_semaphore(%run_scoped3A : memref<!tpu.dma_semaphore, #tpu.memory_space<semaphore_mem>>)
        %dma_wait3A = arith.constant 0 : i32
        %dma_wait3A_47 = tpu.memref_slice %arg6[%arg0, %dma_wait3A] : memref<2x10000xf32, #tpu.memory_space<hbm>> -> memref<1x10000xf32, #tpu.memory_space<hbm>>
        %dma_wait3A_48 = tpu.memref_squeeze %dma_wait3A_47 : memref<1x10000xf32, #tpu.memory_space<hbm>> -> memref<10000xf32, #tpu.memory_space<hbm>>
        tpu.wait_dma2 semaphore(%run_scoped3A : memref<!tpu.dma_semaphore, #tpu.memory_space<semaphore_mem>>) src(%arg13 : memref<10000xf32, #tpu.memory_space<vmem_shared>>) dst(%dma_wait3A_48 : memref<10000xf32, #tpu.memory_space<hbm>>)
        tpu.yield
      }) : () -> ()
    } else {
    }
    return
  }
}

#map = affine_map<(d0, d1) -> (0, 0, 0)>
#map1 = affine_map<(d0, d1) -> (0, 0)>
module attributes {stable_mosaic.version = 14 : i64} {
  func.func @k(%arg0: i32, %arg1: i32, %arg2: memref<32x125x80xi32, #tpu.memory_space<hbm>>, %arg3: memref<2x10000xf32, #tpu.memory_space<hbm>>, %arg4: memref<125x80xi32, #tpu.memory_space<vmem>>, %arg5: memref<80xf32, #tpu.memory_space<vmem>>, %arg6: memref<2000xf32, #tpu.memory_space<vmem>>, %arg7: memref<10000xf32, #tpu.memory_space<vmem_shared>>) attributes {dimension_semantics = [#tpu.dimension_semantics<core_parallel>, #tpu.dimension_semantics<subcore_parallel>], iteration_bounds = array<i64: 2, 16>, scalar_prefetch = 0 : i64, scratch_operands = 4 : i64, tpu.core_type = #tpu.core_type<sc_vector_subcore>, window_params = [{transform_indices = #map}, {transform_indices = #map1}]} {
    %mul3A = arith.constant 16 : i32
    %mul3A_0 = arith.muli %arg0, %mul3A : i32
    %add3A = arith.addi %mul3A_0, %arg1 : i32
    %scan3A = arith.constant 0 : i32
    %scan3A_1 = arith.constant 0 : i32
    %scan3A_2 = arith.constant 5 : i32
    %scan3A_3 = arith.addi %scan3A_1, %scan3A_2 : i32
    %scan3A_4 = arith.constant 1 : i32
    %scan3A_5 = scf.for %scan3A_28 = %scan3A_1 to %scan3A_3 step %scan3A_4 iter_args(%scan3A_29 = %scan3A) -> (i32)  : i32 {
      %broadcast_in_dim3A = arith.constant 1.000000e+00 : f32
      %broadcast_in_dim3A_30 = vector.broadcast %broadcast_in_dim3A : f32 to vector<16xf32>
      %mul3A_31 = arith.constant 16 : i32
      %mul3A_32 = arith.muli %scan3A_28, %mul3A_31 : i32
      %swap3A = arith.index_cast %mul3A_32 : i32 to index
      %swap3A_33 = tpu.vector_load %arg5[%swap3A] {strides = array<i32>} : memref<80xf32, #tpu.memory_space<vmem>>, vector<16xf32>,
      %swap3A_34 = vector.shape_cast %swap3A_33 : vector<16xf32> to vector<16xf32>
      %swap3A_35 = vector.shape_cast %broadcast_in_dim3A_30 : vector<16xf32> to vector<16xf32>
      tpu.vector_store %arg5[%swap3A], %swap3A_35 {strides = array<i32>} : memref<80xf32, #tpu.memory_space<vmem>>, vector<16xf32>,
      %scan3A_36 = arith.constant 0 : i32
      scf.yield %scan3A_36 : i32
    }
    %scan3A_6 = arith.constant 5 : i32
    %scan3A_7 = arith.constant 0 : i32
    %scan3A_8 = arith.constant 0 : i32
    %scan3A_9 = arith.constant 125 : i32
    %scan3A_10 = arith.addi %scan3A_8, %scan3A_9 : i32
    %scan3A_11 = arith.constant 1 : i32
    %scan3A_12 = scf.for %scan3A_28 = %scan3A_8 to %scan3A_10 step %scan3A_11 iter_args(%scan3A_29 = %scan3A_7) -> (i32)  : i32 {
      %broadcast_in_dim3A = arith.constant 0.000000e+00 : f32
      %broadcast_in_dim3A_30 = vector.broadcast %broadcast_in_dim3A : f32 to vector<16xf32>
      %mul3A_31 = arith.constant 16 : i32
      %mul3A_32 = arith.muli %scan3A_28, %mul3A_31 : i32
      %swap3A = arith.index_cast %mul3A_32 : i32 to index
      %swap3A_33 = tpu.vector_load %arg6[%swap3A] {strides = array<i32>} : memref<2000xf32, #tpu.memory_space<vmem>>, vector<16xf32>,
      %swap3A_34 = vector.shape_cast %swap3A_33 : vector<16xf32> to vector<16xf32>
      %swap3A_35 = vector.shape_cast %broadcast_in_dim3A_30 : vector<16xf32> to vector<16xf32>
      tpu.vector_store %arg6[%swap3A], %swap3A_35 {strides = array<i32>} : memref<2000xf32, #tpu.memory_space<vmem>>, vector<16xf32>,
      %scan3A_36 = arith.constant 0 : i32
      scf.yield %scan3A_36 : i32
    }
    %scan3A_13 = arith.constant 125 : i32
    "tpu.region"() ({
      %run_scoped3A = tpu.sem_alloc : memref<!tpu.dma_semaphore, #tpu.memory_space<semaphore_mem>>
      %dma_start3A = arith.constant 0 : i32
      %dma_start3A_28 = arith.constant 0 : i32
      %dma_start3A_29 = tpu.memref_slice %arg2[%add3A, %dma_start3A, %dma_start3A_28] : memref<32x125x80xi32, #tpu.memory_space<hbm>> -> memref<1x125x80xi32, #tpu.memory_space<hbm>>
      %dma_start3A_30 = tpu.memref_squeeze %dma_start3A_29 : memref<1x125x80xi32, #tpu.memory_space<hbm>> -> memref<125x80xi32, #tpu.memory_space<hbm>>
      %dma_start3A_31 = arith.constant 0 : i32
      %dma_start3A_32 = arith.constant 0 : i32
      %dma_start3A_33 = tpu.memref_slice %arg2[%add3A, %dma_start3A_31, %dma_start3A_32] : memref<32x125x80xi32, #tpu.memory_space<hbm>> -> memref<1x125x80xi32, #tpu.memory_space<hbm>>
      %dma_start3A_34 = tpu.memref_squeeze %dma_start3A_33 : memref<1x125x80xi32, #tpu.memory_space<hbm>> -> memref<125x80xi32, #tpu.memory_space<hbm>>
      tpu.enqueue_dma source(%dma_start3A_34 : memref<125x80xi32, #tpu.memory_space<hbm>>) target(%arg4 : memref<125x80xi32, #tpu.memory_space<vmem>>) target_semaphore(%run_scoped3A : memref<!tpu.dma_semaphore, #tpu.memory_space<semaphore_mem>>)
      %dma_wait3A = arith.constant 0 : i32
      %dma_wait3A_35 = arith.constant 0 : i32
      %dma_wait3A_36 = tpu.memref_slice %arg2[%add3A, %dma_wait3A, %dma_wait3A_35] : memref<32x125x80xi32, #tpu.memory_space<hbm>> -> memref<1x125x80xi32, #tpu.memory_space<hbm>>
      %dma_wait3A_37 = tpu.memref_squeeze %dma_wait3A_36 : memref<1x125x80xi32, #tpu.memory_space<hbm>> -> memref<125x80xi32, #tpu.memory_space<hbm>>
      %dma_wait3A_38 = arith.constant 0 : i32
      %dma_wait3A_39 = arith.constant 0 : i32
      %dma_wait3A_40 = tpu.memref_slice %arg2[%add3A, %dma_wait3A_38, %dma_wait3A_39] : memref<32x125x80xi32, #tpu.memory_space<hbm>> -> memref<1x125x80xi32, #tpu.memory_space<hbm>>
      %dma_wait3A_41 = tpu.memref_squeeze %dma_wait3A_40 : memref<1x125x80xi32, #tpu.memory_space<hbm>> -> memref<125x80xi32, #tpu.memory_space<hbm>>
      tpu.wait_dma2 semaphore(%run_scoped3A : memref<!tpu.dma_semaphore, #tpu.memory_space<semaphore_mem>>) src(%dma_wait3A_41 : memref<125x80xi32, #tpu.memory_space<hbm>>) dst(%arg4 : memref<125x80xi32, #tpu.memory_space<vmem>>)
      tpu.yield
    }) : () -> ()
    %lt3A = arith.constant 5 : i32
    %lt3A_14 = arith.cmpi slt, %arg1, %lt3A : i32
    %convert_element_type3A = arith.extui %lt3A_14 : i1 to i32
    %cond3A = arith.constant 0 : i32
    %cond3A_15 = arith.cmpi ne, %convert_element_type3A, %cond3A : i32
    scf.if %cond3A_15 {
      %mul3A_28 = arith.constant 2000 : i32
      %mul3A_29 = arith.muli %arg1, %mul3A_28 : i32
      "tpu.region"() ({
        %run_scoped3A = tpu.sem_alloc : memref<!tpu.dma_semaphore, #tpu.memory_space<semaphore_mem>>
        %dma_start3A = tpu.memref_slice %arg7[%mul3A_29] : memref<10000xf32, #tpu.memory_space<vmem_shared>> -> memref<2000xf32, #tpu.memory_space<vmem_shared>>
        %dma_start3A_30 = tpu.memref_slice %arg7[%mul3A_29] : memref<10000xf32, #tpu.memory_space<vmem_shared>> -> memref<2000xf32, #tpu.memory_space<vmem_shared>>
        tpu.enqueue_dma source(%arg6 : memref<2000xf32, #tpu.memory_space<vmem>>) target(%dma_start3A_30 : memref<2000xf32, #tpu.memory_space<vmem_shared>>) target_semaphore(%run_scoped3A : memref<!tpu.dma_semaphore, #tpu.memory_space<semaphore_mem>>)
        %dma_wait3A = tpu.memref_slice %arg7[%mul3A_29] : memref<10000xf32, #tpu.memory_space<vmem_shared>> -> memref<2000xf32, #tpu.memory_space<vmem_shared>>
        %dma_wait3A_31 = tpu.memref_slice %arg7[%mul3A_29] : memref<10000xf32, #tpu.memory_space<vmem_shared>> -> memref<2000xf32, #tpu.memory_space<vmem_shared>>
        tpu.wait_dma2 semaphore(%run_scoped3A : memref<!tpu.dma_semaphore, #tpu.memory_space<semaphore_mem>>) src(%arg6 : memref<2000xf32, #tpu.memory_space<vmem>>) dst(%dma_wait3A_31 : memref<2000xf32, #tpu.memory_space<vmem_shared>>)
        tpu.yield
      }) : () -> ()
    } else {
    }
    %barrier3A = arith.constant 0 : index
    tpu.barrier barrier_id(%barrier3A)
    %scan3A_16 = arith.constant 0 : i32
    %scan3A_17 = arith.constant 0 : i32
    %scan3A_18 = arith.constant 125 : i32
    %scan3A_19 = arith.addi %scan3A_17, %scan3A_18 : i32
    %scan3A_20 = arith.constant 1 : i32
    %scan3A_21 = scf.for %scan3A_28 = %scan3A_17 to %scan3A_19 step %scan3A_20 iter_args(%scan3A_29 = %scan3A_16) -> (i32)  : i32 {
      "tpu.region"() ({
        %run_scoped3A = tpu.sem_alloc : memref<!tpu.dma_semaphore, #tpu.memory_space<semaphore_mem>>
        %dma_start3A = arith.constant 0 : i32
        %dma_start3A_31 = tpu.memref_slice %arg4[%scan3A_28, %dma_start3A] : memref<125x80xi32, #tpu.memory_space<vmem>> -> memref<1x80xi32, #tpu.memory_space<vmem>>
        %dma_start3A_32 = tpu.memref_squeeze %dma_start3A_31 : memref<1x80xi32, #tpu.memory_space<vmem>> -> memref<80xi32, #tpu.memory_space<vmem>>
        %dma_start3A_33 = arith.constant 0 : i32
        %dma_start3A_34 = tpu.memref_slice %arg7[%dma_start3A_33] : memref<10000xf32, #tpu.memory_space<vmem_shared>> -> memref<10000xf32, #tpu.memory_space<vmem_shared>>
        tpu.enqueue_indirect_dma source(%arg5 : memref<80xf32, #tpu.memory_space<vmem>>) target(%dma_start3A_34 : memref<10000xf32, #tpu.memory_space<vmem_shared>>) offsets(%dma_start3A_32 : memref<80xi32, #tpu.memory_space<vmem>>) semaphore(%run_scoped3A : memref<!tpu.dma_semaphore, #tpu.memory_space<semaphore_mem>>) {add = true}
        %dma_wait3A = arith.constant 0 : i32
        %dma_wait3A_35 = tpu.memref_slice %arg4[%scan3A_28, %dma_wait3A] : memref<125x80xi32, #tpu.memory_space<vmem>> -> memref<1x80xi32, #tpu.memory_space<vmem>>
        %dma_wait3A_36 = tpu.memref_squeeze %dma_wait3A_35 : memref<1x80xi32, #tpu.memory_space<vmem>> -> memref<80xi32, #tpu.memory_space<vmem>>
        %dma_wait3A_37 = arith.constant 0 : i32
        %dma_wait3A_38 = tpu.memref_slice %arg7[%dma_wait3A_37] : memref<10000xf32, #tpu.memory_space<vmem_shared>> -> memref<10000xf32, #tpu.memory_space<vmem_shared>>
        tpu.wait_indirect_dma semaphore(%run_scoped3A : memref<!tpu.dma_semaphore, #tpu.memory_space<semaphore_mem>>) src(%arg5 : memref<80xf32, #tpu.memory_space<vmem>>) dst(%dma_wait3A_38 : memref<10000xf32, #tpu.memory_space<vmem_shared>>)
        tpu.yield
      }) : () -> ()
      %scan3A_30 = arith.constant 0 : i32
      scf.yield %scan3A_30 : i32
    }
    %scan3A_22 = arith.constant 125 : i32
    %barrier3A_23 = arith.constant 0 : index
    tpu.barrier barrier_id(%barrier3A_23)
    %eq3A = arith.constant 0 : i32
    %eq3A_24 = arith.cmpi eq, %arg1, %eq3A : i32
    %convert_element_type3A_25 = arith.extui %eq3A_24 : i1 to i32
    %cond3A_26 = arith.constant 0 : i32
    %cond3A_27 = arith.cmpi ne, %convert_element_type3A_25, %cond3A_26 : i32
    scf.if %cond3A_27 {
      "tpu.region"() ({
        %run_scoped3A = tpu.sem_alloc : memref<!tpu.dma_semaphore, #tpu.memory_space<semaphore_mem>>
        %dma_start3A = arith.constant 0 : i32
        %dma_start3A_28 = tpu.memref_slice %arg3[%arg0, %dma_start3A] : memref<2x10000xf32, #tpu.memory_space<hbm>> -> memref<1x10000xf32, #tpu.memory_space<hbm>>
        %dma_start3A_29 = tpu.memref_squeeze %dma_start3A_28 : memref<1x10000xf32, #tpu.memory_space<hbm>> -> memref<10000xf32, #tpu.memory_space<hbm>>
        tpu.enqueue_dma source(%arg7 : memref<10000xf32, #tpu.memory_space<vmem_shared>>) target(%dma_start3A_29 : memref<10000xf32, #tpu.memory_space<hbm>>) target_semaphore(%run_scoped3A : memref<!tpu.dma_semaphore, #tpu.memory_space<semaphore_mem>>)
        %dma_wait3A = arith.constant 0 : i32
        %dma_wait3A_30 = tpu.memref_slice %arg3[%arg0, %dma_wait3A] : memref<2x10000xf32, #tpu.memory_space<hbm>> -> memref<1x10000xf32, #tpu.memory_space<hbm>>
        %dma_wait3A_31 = tpu.memref_squeeze %dma_wait3A_30 : memref<1x10000xf32, #tpu.memory_space<hbm>> -> memref<10000xf32, #tpu.memory_space<hbm>>
        tpu.wait_dma2 semaphore(%run_scoped3A : memref<!tpu.dma_semaphore, #tpu.memory_space<semaphore_mem>>) src(%arg7 : memref<10000xf32, #tpu.memory_space<vmem_shared>>) dst(%dma_wait3A_31 : memref<10000xf32, #tpu.memory_space<hbm>>)
        tpu.yield
      }) : () -> ()
    } else {
    }
    return
  }
}

module attributes {stable_mosaic.version = 14 : i64} {
  func.func @body(%arg0: i32, %arg1: memref<1000x128xf32, #tpu.memory_space<vmem>>, %arg2: memref<1000x1xf32, #tpu.memory_space<vmem>>, %arg3: memref<1000x1xf32, #tpu.memory_space<vmem>>, %arg4: memref<8x1000x128xf32, #tpu.memory_space<vmem>>) attributes {dimension_semantics = [#tpu.dimension_semantics<arbitrary>], iteration_bounds = array<i64: 10>, scalar_prefetch = 0 : i64, scratch_operands = 0 : i64, tpu.core_type = #tpu.core_type<tc>, window_params = [{transform_indices = @transform_0, window_bounds = array<i64: 1000, 128>}, {transform_indices = @transform_1, window_bounds = array<i64: 1000, 1>}, {transform_indices = @transform_2, window_bounds = array<i64: 1000, 1>}, {transform_indices = @transform_3, window_bounds = array<i64: 8, 1000, 128>}]} {
    %get3A = arith.constant 0 : index
    %get3A_0 = arith.constant 0 : index
    %get3A_1 = vector.load %arg2[%get3A, %get3A_0] : memref<1000x1xf32, #tpu.memory_space<vmem>>, vector<1000x1xf32>
    %get3A_2 = arith.constant 0 : index
    %get3A_3 = arith.constant 0 : index
    %get3A_4 = vector.load %arg3[%get3A_2, %get3A_3] : memref<1000x1xf32, #tpu.memory_space<vmem>>, vector<1000x1xf32>
    %add3A = arith.addf %get3A_1, %get3A_4 : vector<1000x1xf32>
    %gt3A = arith.constant 0.000000e+00 : f32
    %gt3A_5 = vector.broadcast %gt3A : f32 to vector<1000x1xf32>
    %gt3A_6 = arith.cmpf ogt, %add3A, %gt3A_5 : vector<1000x1xf32>
    %rsqrt3A = math.rsqrt %add3A : vector<1000x1xf32>
    %jit3A = arith.constant 0.000000e+00 : f32
    %broadcast_in_dim3A = vector.broadcast %jit3A : f32 to vector<1000x1xf32>
    %select_n3A = arith.select %gt3A_6, %rsqrt3A, %broadcast_in_dim3A : vector<1000x1xi1>, vector<1000x1xf32>
    %get3A_7 = arith.constant 0 : index
    %get3A_8 = arith.constant 0 : index
    %get3A_9 = vector.load %arg1[%get3A_7, %get3A_8] : memref<1000x128xf32, #tpu.memory_space<vmem>>, vector<1000x128xf32>
    %mul3A = vector.broadcast %select_n3A : vector<1000x1xf32> to vector<1000x128xf32>
    %mul3A_10 = arith.mulf %get3A_9, %mul3A : vector<1000x128xf32>
    %mul3A_11 = arith.constant 1.000000e+00 : f32
    %mul3A_12 = vector.broadcast %mul3A_11 : f32 to vector<1000x128xf32>
    %mul3A_13 = arith.mulf %mul3A_10, %mul3A_12 : vector<1000x128xf32>
    %swap3A = arith.constant 0 : index
    %swap3A_14 = arith.constant 0 : index
    %swap3A_15 = arith.constant 0 : index
    %swap3A_16 = vector.load %arg4[%swap3A, %swap3A_14, %swap3A_15] : memref<8x1000x128xf32, #tpu.memory_space<vmem>>, vector<1x1000x128xf32>
    %swap3A_17 = vector.shape_cast %swap3A_16 : vector<1x1000x128xf32> to vector<1000x128xf32>
    %swap3A_18 = vector.shape_cast %mul3A_13 : vector<1000x128xf32> to vector<1x1000x128xf32>
    tpu.vector_store %arg4[%swap3A, %swap3A_14, %swap3A_15], %swap3A_18 {strides = array<i32>} : memref<8x1000x128xf32, #tpu.memory_space<vmem>>, vector<1x1000x128xf32>,
    %mul3A_19 = arith.constant 5.000000e-01 : f32
    %mul3A_20 = vector.broadcast %mul3A_19 : f32 to vector<1000x128xf32>
    %mul3A_21 = arith.mulf %mul3A_10, %mul3A_20 : vector<1000x128xf32>
    %swap3A_22 = arith.constant 1 : index
    %swap3A_23 = arith.constant 0 : index
    %swap3A_24 = arith.constant 0 : index
    %swap3A_25 = vector.load %arg4[%swap3A_22, %swap3A_23, %swap3A_24] : memref<8x1000x128xf32, #tpu.memory_space<vmem>>, vector<1x1000x128xf32>
    %swap3A_26 = vector.shape_cast %swap3A_25 : vector<1x1000x128xf32> to vector<1000x128xf32>
    %swap3A_27 = vector.shape_cast %mul3A_21 : vector<1000x128xf32> to vector<1x1000x128xf32>
    tpu.vector_store %arg4[%swap3A_22, %swap3A_23, %swap3A_24], %swap3A_27 {strides = array<i32>} : memref<8x1000x128xf32, #tpu.memory_space<vmem>>, vector<1x1000x128xf32>,
    %mul3A_28 = arith.constant 2.500000e-01 : f32
    %mul3A_29 = vector.broadcast %mul3A_28 : f32 to vector<1000x128xf32>
    %mul3A_30 = arith.mulf %mul3A_10, %mul3A_29 : vector<1000x128xf32>
    %swap3A_31 = arith.constant 2 : index
    %swap3A_32 = arith.constant 0 : index
    %swap3A_33 = arith.constant 0 : index
    %swap3A_34 = vector.load %arg4[%swap3A_31, %swap3A_32, %swap3A_33] : memref<8x1000x128xf32, #tpu.memory_space<vmem>>, vector<1x1000x128xf32>
    %swap3A_35 = vector.shape_cast %swap3A_34 : vector<1x1000x128xf32> to vector<1000x128xf32>
    %swap3A_36 = vector.shape_cast %mul3A_30 : vector<1000x128xf32> to vector<1x1000x128xf32>
    tpu.vector_store %arg4[%swap3A_31, %swap3A_32, %swap3A_33], %swap3A_36 {strides = array<i32>} : memref<8x1000x128xf32, #tpu.memory_space<vmem>>, vector<1x1000x128xf32>,
    %mul3A_37 = arith.constant 1.250000e-01 : f32
    %mul3A_38 = vector.broadcast %mul3A_37 : f32 to vector<1000x128xf32>
    %mul3A_39 = arith.mulf %mul3A_10, %mul3A_38 : vector<1000x128xf32>
    %swap3A_40 = arith.constant 3 : index
    %swap3A_41 = arith.constant 0 : index
    %swap3A_42 = arith.constant 0 : index
    %swap3A_43 = vector.load %arg4[%swap3A_40, %swap3A_41, %swap3A_42] : memref<8x1000x128xf32, #tpu.memory_space<vmem>>, vector<1x1000x128xf32>
    %swap3A_44 = vector.shape_cast %swap3A_43 : vector<1x1000x128xf32> to vector<1000x128xf32>
    %swap3A_45 = vector.shape_cast %mul3A_39 : vector<1000x128xf32> to vector<1x1000x128xf32>
    tpu.vector_store %arg4[%swap3A_40, %swap3A_41, %swap3A_42], %swap3A_45 {strides = array<i32>} : memref<8x1000x128xf32, #tpu.memory_space<vmem>>, vector<1x1000x128xf32>,
    %mul3A_46 = arith.constant 6.250000e-02 : f32
    %mul3A_47 = vector.broadcast %mul3A_46 : f32 to vector<1000x128xf32>
    %mul3A_48 = arith.mulf %mul3A_10, %mul3A_47 : vector<1000x128xf32>
    %swap3A_49 = arith.constant 4 : index
    %swap3A_50 = arith.constant 0 : index
    %swap3A_51 = arith.constant 0 : index
    %swap3A_52 = vector.load %arg4[%swap3A_49, %swap3A_50, %swap3A_51] : memref<8x1000x128xf32, #tpu.memory_space<vmem>>, vector<1x1000x128xf32>
    %swap3A_53 = vector.shape_cast %swap3A_52 : vector<1x1000x128xf32> to vector<1000x128xf32>
    %swap3A_54 = vector.shape_cast %mul3A_48 : vector<1000x128xf32> to vector<1x1000x128xf32>
    tpu.vector_store %arg4[%swap3A_49, %swap3A_50, %swap3A_51], %swap3A_54 {strides = array<i32>} : memref<8x1000x128xf32, #tpu.memory_space<vmem>>, vector<1x1000x128xf32>,
    %mul3A_55 = arith.constant 3.125000e-02 : f32
    %mul3A_56 = vector.broadcast %mul3A_55 : f32 to vector<1000x128xf32>
    %mul3A_57 = arith.mulf %mul3A_10, %mul3A_56 : vector<1000x128xf32>
    %swap3A_58 = arith.constant 5 : index
    %swap3A_59 = arith.constant 0 : index
    %swap3A_60 = arith.constant 0 : index
    %swap3A_61 = vector.load %arg4[%swap3A_58, %swap3A_59, %swap3A_60] : memref<8x1000x128xf32, #tpu.memory_space<vmem>>, vector<1x1000x128xf32>
    %swap3A_62 = vector.shape_cast %swap3A_61 : vector<1x1000x128xf32> to vector<1000x128xf32>
    %swap3A_63 = vector.shape_cast %mul3A_57 : vector<1000x128xf32> to vector<1x1000x128xf32>
    tpu.vector_store %arg4[%swap3A_58, %swap3A_59, %swap3A_60], %swap3A_63 {strides = array<i32>} : memref<8x1000x128xf32, #tpu.memory_space<vmem>>, vector<1x1000x128xf32>,
    %mul3A_64 = arith.constant 1.562500e-02 : f32
    %mul3A_65 = vector.broadcast %mul3A_64 : f32 to vector<1000x128xf32>
    %mul3A_66 = arith.mulf %mul3A_10, %mul3A_65 : vector<1000x128xf32>
    %swap3A_67 = arith.constant 6 : index
    %swap3A_68 = arith.constant 0 : index
    %swap3A_69 = arith.constant 0 : index
    %swap3A_70 = vector.load %arg4[%swap3A_67, %swap3A_68, %swap3A_69] : memref<8x1000x128xf32, #tpu.memory_space<vmem>>, vector<1x1000x128xf32>
    %swap3A_71 = vector.shape_cast %swap3A_70 : vector<1x1000x128xf32> to vector<1000x128xf32>
    %swap3A_72 = vector.shape_cast %mul3A_66 : vector<1000x128xf32> to vector<1x1000x128xf32>
    tpu.vector_store %arg4[%swap3A_67, %swap3A_68, %swap3A_69], %swap3A_72 {strides = array<i32>} : memref<8x1000x128xf32, #tpu.memory_space<vmem>>, vector<1x1000x128xf32>,
    %mul3A_73 = arith.constant 7.812500e-03 : f32
    %mul3A_74 = vector.broadcast %mul3A_73 : f32 to vector<1000x128xf32>
    %mul3A_75 = arith.mulf %mul3A_10, %mul3A_74 : vector<1000x128xf32>
    %swap3A_76 = arith.constant 7 : index
    %swap3A_77 = arith.constant 0 : index
    %swap3A_78 = arith.constant 0 : index
    %swap3A_79 = vector.load %arg4[%swap3A_76, %swap3A_77, %swap3A_78] : memref<8x1000x128xf32, #tpu.memory_space<vmem>>, vector<1x1000x128xf32>
    %swap3A_80 = vector.shape_cast %swap3A_79 : vector<1x1000x128xf32> to vector<1000x128xf32>
    %swap3A_81 = vector.shape_cast %mul3A_75 : vector<1000x128xf32> to vector<1x1000x128xf32>
    tpu.vector_store %arg4[%swap3A_76, %swap3A_77, %swap3A_78], %swap3A_81 {strides = array<i32>} : memref<8x1000x128xf32, #tpu.memory_space<vmem>>, vector<1x1000x128xf32>,
    return
  }
  func.func @transform_0(%arg0: i32) -> (i32, i32) {
    %c0_i32 = arith.constant 0 : i32
    %c0_i32_0 = arith.constant 0 : i32
    return %arg0, %c0_i32 : i32, i32
  }
  func.func @transform_1(%arg0: i32) -> (i32, i32) {
    %c0_i32 = arith.constant 0 : i32
    %c0_i32_0 = arith.constant 0 : i32
    return %arg0, %c0_i32 : i32, i32
  }
  func.func @transform_2(%arg0: i32) -> (i32, i32) {
    %c0_i32 = arith.constant 0 : i32
    %c0_i32_0 = arith.constant 0 : i32
    return %arg0, %c0_i32 : i32, i32
  }
  func.func @transform_3(%arg0: i32) -> (i32, i32, i32) {
    %c0_i32 = arith.constant 0 : i32
    %c0_i32_0 = arith.constant 0 : i32
    %c0_i32_1 = arith.constant 0 : i32
    return %c0_i32, %arg0, %c0_i32_0 : i32, i32, i32
  }
}

module attributes {stable_mosaic.version = 14 : i64} {
  func.func @body(%arg0: i32, %arg1: memref<2x1000x128xf32, #tpu.memory_space<vmem>>, %arg2: memref<1000x1xf32, #tpu.memory_space<vmem>>, %arg3: memref<1000x1xf32, #tpu.memory_space<vmem>>, %arg4: memref<1x1000x128xf32, #tpu.memory_space<vmem>>, %arg5: memref<128x128xf32, #tpu.memory_space<vmem>>, %arg6: memref<1x128xf32, #tpu.memory_space<vmem>>, %arg7: memref<1000x128xf32, #tpu.memory_space<vmem>>) attributes {dimension_semantics = [#tpu.dimension_semantics<arbitrary>], iteration_bounds = array<i64: 10>, scalar_prefetch = 0 : i64, scratch_operands = 0 : i64, tpu.core_type = #tpu.core_type<tc>, window_params = [{transform_indices = @transform_0, window_bounds = array<i64: 2, 1000, 128>}, {transform_indices = @transform_1, window_bounds = array<i64: 1000, 1>}, {transform_indices = @transform_2, window_bounds = array<i64: 1000, 1>}, {transform_indices = @transform_3, window_bounds = array<i64: 1, 1000, 128>}, {pipeline_mode = #tpu.pipeline_mode<synchronous>, transform_indices = @transform_4, window_bounds = array<i64: 128, 128>}, {pipeline_mode = #tpu.pipeline_mode<synchronous>, transform_indices = @transform_5, window_bounds = array<i64: 1, 128>}, {transform_indices = @transform_6, window_bounds = array<i64: 1000, 128>}]} {
    %get3A = arith.constant 0 : index
    %get3A_0 = arith.constant 0 : index
    %get3A_1 = arith.constant 0 : index
    %get3A_2 = vector.load %arg1[%get3A, %get3A_0, %get3A_1] : memref<2x1000x128xf32, #tpu.memory_space<vmem>>, vector<2x1000x128xf32>
    %slice3A = vector.extract_strided_slice %get3A_2 {offsets = [0, 0, 0], sizes = [1, 1000, 128], strides = [1, 1, 1]} : vector<2x1000x128xf32> to vector<1x1000x128xf32>
    %squeeze3A = vector.shape_cast %slice3A : vector<1x1000x128xf32> to vector<1000x128xf32>
    %slice3A_3 = vector.extract_strided_slice %get3A_2 {offsets = [1, 0, 0], sizes = [1, 1000, 128], strides = [1, 1, 1]} : vector<2x1000x128xf32> to vector<1x1000x128xf32>
    %squeeze3A_4 = vector.shape_cast %slice3A_3 : vector<1x1000x128xf32> to vector<1000x128xf32>
    %add3A = arith.addf %squeeze3A, %squeeze3A_4 : vector<1000x128xf32>
    %get3A_5 = arith.constant 0 : index
    %get3A_6 = arith.constant 0 : index
    %get3A_7 = vector.load %arg2[%get3A_5, %get3A_6] : memref<1000x1xf32, #tpu.memory_space<vmem>>, vector<1000x1xf32>
    %get3A_8 = arith.constant 0 : index
    %get3A_9 = arith.constant 0 : index
    %get3A_10 = vector.load %arg3[%get3A_8, %get3A_9] : memref<1000x1xf32, #tpu.memory_space<vmem>>, vector<1000x1xf32>
    %add3A_11 = arith.addf %get3A_7, %get3A_10 : vector<1000x1xf32>
    %max3A = arith.constant 1.000000e+00 : f32
    %max3A_12 = vector.broadcast %max3A : f32 to vector<1000x1xf32>
    %max3A_13 = arith.maximumf %add3A_11, %max3A_12 : vector<1000x1xf32>
    %div3A = vector.broadcast %max3A_13 : vector<1000x1xf32> to vector<1000x128xf32>
    %div3A_14 = arith.divf %add3A, %div3A : vector<1000x128xf32>
    %gt3A = arith.constant 0.000000e+00 : f32
    %gt3A_15 = vector.broadcast %gt3A : f32 to vector<1000x1xf32>
    %gt3A_16 = arith.cmpf ogt, %add3A_11, %gt3A_15 : vector<1000x1xf32>
    %get3A_17 = arith.constant 0 : index
    %get3A_18 = arith.constant 0 : index
    %get3A_19 = arith.constant 0 : index
    %get3A_20 = vector.load %arg4[%get3A_17, %get3A_18, %get3A_19] : memref<1x1000x128xf32, #tpu.memory_space<vmem>>, vector<1x1000x128xf32>
    %get3A_21 = vector.shape_cast %get3A_20 : vector<1x1000x128xf32> to vector<1000x128xf32>
    %broadcast_in_dim3A = vector.shape_cast %gt3A_16 : vector<1000x1xi1> to vector<1000x1xi1>
    %broadcast_in_dim3A_22 = vector.broadcast %broadcast_in_dim3A : vector<1000x1xi1> to vector<1000x128xi1>
    %select_n3A = arith.select %broadcast_in_dim3A_22, %div3A_14, %get3A_21 : vector<1000x128xi1>, vector<1000x128xf32>
    %get3A_23 = arith.constant 0 : index
    %get3A_24 = arith.constant 0 : index
    %get3A_25 = vector.load %arg5[%get3A_23, %get3A_24] : memref<128x128xf32, #tpu.memory_space<vmem>>, vector<128x128xf32>
    %dot_general3A = arith.constant dense<0.000000e+00> : vector<1000x128xf32>
    %dot_general3A_26 = tpu.matmul %select_n3A, %get3A_25, %dot_general3A {dimension_numbers = #tpu.dot_dimension_numbers<[1], [0], [0], [1], [0, 0, 1, 1], [], []>, transpose_lhs_hint = false} : vector<1000x128xf32>, vector<128x128xf32>, vector<1000x128xf32> -> vector<1000x128xf32>
    %gt3A_27 = arith.constant 0.000000e+00 : f32
    %gt3A_28 = vector.broadcast %gt3A_27 : f32 to vector<1000x1xf32>
    %gt3A_29 = arith.cmpf ogt, %add3A_11, %gt3A_28 : vector<1000x1xf32>
    %rsqrt3A = math.rsqrt %add3A_11 : vector<1000x1xf32>
    %jit3A = arith.constant 0.000000e+00 : f32
    %broadcast_in_dim3A_30 = vector.broadcast %jit3A : f32 to vector<1000x1xf32>
    %select_n3A_31 = arith.select %gt3A_29, %rsqrt3A, %broadcast_in_dim3A_30 : vector<1000x1xi1>, vector<1000x1xf32>
    %mul3A = vector.broadcast %select_n3A_31 : vector<1000x1xf32> to vector<1000x128xf32>
    %mul3A_32 = arith.mulf %dot_general3A_26, %mul3A : vector<1000x128xf32>
    %get3A_33 = arith.constant 0 : index
    %get3A_34 = arith.constant 0 : index
    %get3A_35 = vector.load %arg6[%get3A_33, %get3A_34] : memref<1x128xf32, #tpu.memory_space<vmem>>, vector<1x128xf32>
    %add3A_36 = vector.broadcast %get3A_35 : vector<1x128xf32> to vector<1000x128xf32>
    %add3A_37 = arith.addf %mul3A_32, %add3A_36 : vector<1000x128xf32>
    %swap3A = arith.constant 0 : index
    %swap3A_38 = arith.constant 0 : index
    %swap3A_39 = vector.load %arg7[%swap3A, %swap3A_38] : memref<1000x128xf32, #tpu.memory_space<vmem>>, vector<1000x128xf32>
    tpu.vector_store %arg7[%swap3A, %swap3A_38], %add3A_37 {strides = array<i32>} : memref<1000x128xf32, #tpu.memory_space<vmem>>, vector<1000x128xf32>,
    return
  }
  func.func @transform_0(%arg0: i32) -> (i32, i32, i32) {
    %c0_i32 = arith.constant 0 : i32
    %c0_i32_0 = arith.constant 0 : i32
    %c0_i32_1 = arith.constant 0 : i32
    return %c0_i32, %arg0, %c0_i32_0 : i32, i32, i32
  }
  func.func @transform_1(%arg0: i32) -> (i32, i32) {
    %c0_i32 = arith.constant 0 : i32
    %c0_i32_0 = arith.constant 0 : i32
    return %arg0, %c0_i32 : i32, i32
  }
  func.func @transform_2(%arg0: i32) -> (i32, i32) {
    %c0_i32 = arith.constant 0 : i32
    %c0_i32_0 = arith.constant 0 : i32
    return %arg0, %c0_i32 : i32, i32
  }
  func.func @transform_3(%arg0: i32) -> (i32, i32, i32) {
    %c0_i32 = arith.constant 0 : i32
    %c0_i32_0 = arith.constant 0 : i32
    %c0_i32_1 = arith.constant 0 : i32
    return %c0_i32, %arg0, %c0_i32_0 : i32, i32, i32
  }
  func.func @transform_4(%arg0: i32) -> (i32, i32) {
    %c0_i32 = arith.constant 0 : i32
    %c0_i32_0 = arith.constant 0 : i32
    %c0_i32_1 = arith.constant 0 : i32
    return %c0_i32, %c0_i32_0 : i32, i32
  }
  func.func @transform_5(%arg0: i32) -> (i32, i32) {
    %c0_i32 = arith.constant 0 : i32
    %c0_i32_0 = arith.constant 0 : i32
    %c0_i32_1 = arith.constant 0 : i32
    return %c0_i32, %c0_i32_0 : i32, i32
  }
  func.func @transform_6(%arg0: i32) -> (i32, i32) {
    %c0_i32 = arith.constant 0 : i32
    %c0_i32_0 = arith.constant 0 : i32
    return %arg0, %c0_i32 : i32, i32
  }
}

</mosaic_0001>

<sc_bundles>
// kernel: kernel.6.cloned.1.call-start
scs
__scs_entry_jumppad:
0x0: {  	(pc) =	sbr.rel $0x88, $3  }
0x1: {  	(tag) =	ssettag $0x0;
	lr =	simm.s32 $0x1  }
0x2: {  	[smem:$0x3F9C] =	sst lr;
	_ =	strace $0xD0000000  }
0x3: {  	_ = 	snop  }
0x4: {  	_ = 	snop  }
0x5: {  	_ = 	snop  }
0x6: {  	_ = 	snop  }
0x7: {  	_ = 	snop  }
__scs_overlays_trampoline_lowered:
0x8: {  	[smem:$0x3FAB] =	sst s0  }
0x9: {  	[smem:$0x3FAC] =	sst s1  }
0xa: {  	[smem:$0x3FAD] =	sst s2  }
0xb: {  	[smem:$0x3FAE] =	sst s3  }
0xc: {  	[smem:$0x3FAF] =	sst s4  }
0xd: {  	[smem:$0x3FB0] =	sst s5  }
0xe: {  	[smem:$0x3FB1] =	sst s6  }
0xf: {  	[smem:$0x3FB2] =	sst s7  }
0x10: {  	[smem:$0x3FB3] =	sst s8  }
0x11: {  	[smem:$0x3FB4] =	sst s9;
	s0 =	simm.s32 @!p0 $0x0  }
0x12: {  	s1 =	sld [smem:$0x3F9A];
	s0 =	simm.s32 @p0 $0x1  }
0x13: {  	[smem:$0x3FB5] =	sst s0;
	s0 =	simm.s32 @!p1 $0x0  }
0x14: {  	s2 =	sld [smem:$0x3F99];
	s0 =	simm.s32 @p1 $0x1  }
0x15: {  	[smem:$0x3FB6] =	sst s0;
	s0 =	simm.s32 @!p2 $0x0  }
0x16: {  	s3 =	sld [smem:$0x3FDB];
	s0 =	simm.s32 @p2 $0x1  }
0x17: {  	s4 =	simm.s32 $0x1BF5;
	[smem:$0x3FB8] =	sst s0  }
0x18: {  	s0 =	sld [smem:$0x3F9B];
	_ =	swait.ge [sflag:s4], $0x0  }
0x19: {  	s7 =	sld [smem:$0x3F9C]  }
0x1a: {  	s8 =	sadd.s32 $0xFFFFE003, lr  }
0x1b: {  	s9 =	sadd.s32 $0xFFFFFEF7, lr;
	s5 =	simm.s32 $0xFFFFFFFF;
	p2 =	slt.u32 s8, $0xFFFFF086  }
0x1c: {  	p1 =	slt.u32 s9, $0xF7A;
	s5 =	simm.s32 @!p2 $0x0  }
0x1d: {  	s5 =	simm.s32 @p1 $0x1;
	p0 =	seq.s32 s7, s2  }
0x1e: {  	s7 =	smul.u32 @!p0 $0xF7A, s2;
	p2 =	seq.s32 @!p0 s5, $0x0  }
0x1f: {  	s9 =	smul.u32 $0xF7A, s1;
	s8 =	simm.s32 @!p0 $0x1BF5;
	p2 =	por !p2, p0  }
0x20: {  	[sflag:s8] =	ssyncset.s32 @!p0 $0xFFFFF086;
	s6 =	sadd.s32 @!p0 s3, s7;
	s7 =	simm.s32 @!p0 $0x108  }
0x21: {  	s3 =	sadd.s32 s3, s9;
	s6 =	sadd.s32 @!p0 $0x88, s6;
	s7 =	simm.s32 @p2 $0x1082  }
0x22: {  	[simem:s7], [sflag:s8] =	dma.local @!p0 [hbm:s6], $0xF7A  }
0x23: {  	s9 =	sor.u32 $0xD0000000, s2;
	s6 =	simm.s32 $0x108;
	_ =	swait.ge @!p0 [sflag:s8], $0x0  }
0x24: {  	s3 =	sadd.s32 $0x88, s3;
	s6 =	simm.s32 @!p1 $0x1082;
	[sflag:s4] =	ssyncset.s32 $0xFFFFF086  }
0x25: {  	[simem:s6], [sflag:s4] =	dma.local [hbm:s3], $0xF7A  }
0x26: {  	[smem:$0x3F9C] =	sst s1;
	(tag) =	ssettag s2;
	_ =	strace s9  }
0x27: {  	s1 =	sld [smem:$0x3FAC]  }
0x28: {  	s2 =	sld [smem:$0x3FAD]  }
0x29: {  	s4 =	sld [smem:$0x3FAF]  }
0x2a: {  	p0 =	seq.s32 s5, $0x0;
	s5 =	sld [smem:$0x3FB0]  }
0x2b: {  	s6 =	sld [smem:$0x3FB1]  }
0x2c: {  	s7 =	sld [smem:$0x3FB2]  }
0x2d: {  	s3 =	simm.s32 $0x108;
	s8 =	sld [smem:$0x3FB3]  }
0x2e: {  	s3 =	simm.s32 @!p0 $0x1082;
	s9 =	sld [smem:$0x3FB4]  }
0x2f: {  	lr =	sadd.s32 s0, s3;
	s0 =	sld [smem:$0x3FAB]  }
0x30: {  	s3 =	sld [smem:$0x3FAE]  }
0x31: {  	[smem:$0x3FB7] =	sst s10  }
0x32: {  	s10 =	sld [smem:$0x3FB5];
	_ =	sdelay $0x3  }
0x33: {  	p0 =	seq.s32 s10, $0x1;
	s10 =	sld [smem:$0x3FB7];
	_ =	sdelay $0x3  }
0x34: {  	[smem:$0x3FB7] =	sst s10  }
0x35: {  	s10 =	sld [smem:$0x3FB6];
	_ =	sdelay $0x3  }
0x36: {  	p1 =	seq.s32 s10, $0x1;
	s10 =	sld [smem:$0x3FB7];
	_ =	sdelay $0x3  }
0x37: {  	[smem:$0x3FB7] =	sst s10  }
0x38: {  	s10 =	sld [smem:$0x3FB8]  }
0x39: {  	_ = 	snop;
	(pc) =	sbr.ind lr, $3  }
0x3a: {  	_ = 	snop  }
0x3b: {  	_ = 	snop  }
0x3c: {  	p2 =	seq.s32 s10, $0x1;
	s10 =	sld [smem:$0x3FB7]  }
0x3d: {  	_ =	shalt  }
0x3e: {  	_ =	shalt  }
0x3f: {  	_ =	shalt  }
0x40: {  	_ =	shalt  }
0x41: {  	_ =	shalt  }
0x42: {  	_ =	shalt  }
0x43: {  	_ =	shalt  }
0x44: {  	_ =	shalt  }
0x45: {  	_ =	shalt  }
0x46: {  	_ =	shalt  }
0x47: {  	_ =	shalt  }
0x48: {  	_ =	shalt  }
0x49: {  	_ =	shalt  }
0x4a: {  	_ =	shalt  }
0x4b: {  	_ =	shalt  }
0x4c: {  	_ =	shalt  }
0x4d: {  	_ =	shalt  }
0x4e: {  	_ =	shalt  }
0x4f: {  	_ =	shalt  }
0x50: {  	_ =	shalt  }
0x51: {  	_ =	shalt  }
0x52: {  	_ =	shalt  }
0x53: {  	_ =	shalt  }
0x54: {  	_ =	shalt  }
0x55: {  	_ =	shalt  }
0x56: {  	_ =	shalt  }
0x57: {  	_ =	shalt  }
0x58: {  	_ =	shalt  }
0x59: {  	_ =	shalt  }
0x5a: {  	_ =	shalt  }
0x5b: {  	_ =	shalt  }
0x5c: {  	_ =	shalt  }
0x5d: {  	_ =	shalt  }
0x5e: {  	_ =	shalt  }
0x5f: {  	_ =	shalt  }
0x60: {  	_ =	shalt  }
0x61: {  	_ =	shalt  }
0x62: {  	_ =	shalt  }
0x63: {  	_ =	shalt  }
0x64: {  	_ =	shalt  }
0x65: {  	_ =	shalt  }
0x66: {  	_ =	shalt  }
0x67: {  	_ =	shalt  }
0x68: {  	_ =	shalt  }
0x69: {  	_ =	shalt  }
0x6a: {  	_ =	shalt  }
0x6b: {  	_ =	shalt  }
0x6c: {  	_ =	shalt  }
0x6d: {  	_ =	shalt  }
0x6e: {  	_ =	shalt  }
0x6f: {  	_ =	shalt  }
0x70: {  	_ =	shalt  }
0x71: {  	_ =	shalt  }
0x72: {  	_ =	shalt  }
0x73: {  	_ =	shalt  }
0x74: {  	_ =	shalt  }
0x75: {  	_ =	shalt  }
0x76: {  	_ =	shalt  }
0x77: {  	_ =	shalt  }
0x78: {  	_ =	shalt  }
0x79: {  	_ =	shalt  }
0x7a: {  	_ =	shalt  }
0x7b: {  	_ =	shalt  }
0x7c: {  	_ =	shalt  }
0x7d: {  	_ =	shalt  }
0x7e: {  	_ =	shalt  }
0x7f: {  	_ =	shalt  }
0x80: {  	_ =	shalt  }
0x81: {  	_ =	shalt  }
0x82: {  	_ =	shalt  }
0x83: {  	_ =	shalt  }
0x84: {  	_ =	shalt  }
0x85: {  	_ =	shalt  }
0x86: {  	_ =	shalt  }
0x87: {  	_ =	shalt  }
.Lfunc_end0:
.L_simem_size_0:
called_computation_lowered:
.L_overlay_start_0:
0x88: {  	s2 =	sld [smem:$0x3FD9]  }
0x89: {  	s3 =	sld [smem:$0x3FFE];
	_ =	sdelay $0x1  }
0x8a: {  	s1 =	srdreg.scid  }
0x8b: {  	s0 =	sand.u32 $0x1, s1  }
0x8c: {  	s16 =	sshll.u32 s0, $0xA;
	s2 =	sadd.s32 s3, s2  }
0x8d: {  	s2 =	sadd.s32 s2, s16  }
0x8e: {  	[smem:$0x3FC3] =	sst s2  }
0x8f: {  	_ = 	snop  }
0x90: {  	(tm) =	ssettm $0x1  }
0x91: {  	s17 =	sld [smem:$0x3FFB];
	_ =	sdelay $0x3  }
0x92: {  	_ =	strace s17  }
0x93: {  	s2 =	sld [smem:$0x3FFC];
	_ =	sdelay $0x3  }
0x94: {  	_ =	strace s2  }
0x95: {  	s2 =	sld [smem:$0x3FFD];
	_ =	sdelay $0x3  }
0x96: {  	_ =	strace s2  }
0x97: {  	_ =	strace $0x8FFFFFFF  }
0x98: {  	s18 =	sld [smem:$0x3FDB];
	_ =	sdelay $0x1  }
0x99: {  	s19 =	simm.s32 $_scs_section_size  }
0x9a: {  	s4 =	simm.s32 $_size__tile_overlayer_lowered;
	s5 =	simm.s32 $_tile_overlayer_lowered  }
0x9b: {  	s22 =	simm.s32 $0x1BFF;
	s21 =	sshll.u32 s5, $0x1;
	s2 =	sadd.s32 s19, s18  }
0x9c: {  	s6 =	simm.s32 $0x0;
	s20 =	sshll.u32 s4, $0x1;
	s4 =	sadd.s32 s21, s2  }
0x9d: {  	[timem:s6], [sflag:s22] =	dma.local [hbm:s4], s20  }
0x9e: {  	_ =	swait.ge [sflag:s22], s20  }
0x9f: {  	s3 =	ssub.s32 $0x0, s20;
	[sflag:s22] =	ssyncset.done $0x0  }
0xa0: {  	[sflag:s22] =	ssyncadd.s32 s3;
	_ =	sdelay $0x1  }
0xa1: {  	s23 =	simm.s32 $0x1B8B  }
0xa2: {  	_ =	swait.ge [sflag:s23], $0x1  }
0xa3: {  	[sflag:s23] =	ssyncset.done $0x0  }
0xa4: {  	s25 =	simm.s32 $0x1B8E;
	s24 =	sld [smem:$0x3FFE];
	[sflag:s23] =	ssyncadd.s32 $0xFFFFFFFF  }
0xa5: {  	s26 =	simm.s32 $execute0_lowered;
	[smem:$0x3FD2] =	sst s25  }
0xa6: {  	s4 =	sshll.u32 s26, $0x1;
	_ =	strace $0x80000046;
	[dreg:$0x1] =	wrdreg $0xFFFFFFFF  }
0xa7: {  	s28 =	simm.s32 $_size_execute0_lowered;
	s2 =	sadd.s32 s2, s4;
	[dreg:$0x0] =	wrdreg $0x0  }
0xa8: {  	s4 =	sshll.u32 s28, $0x1;
	[dreg:$0x2] =	wrdreg s2  }
0xa9: {  	[dreg:$0x3] =	wrdreg s4  }
0xaa: {  	[dreg:$0x4] =	wrdreg $0xC0  }
0xab: {  	_ =	task [dreg:s6], $0x5FFFF  }
0xac: {  	[dreg:$0x1] =	wrdreg $0xFFFFFFFF  }
0xad: {  	[dreg:$0x0] =	wrdreg $0x60  }
0xae: {  	[dreg:$0x2] =	wrdreg s24  }
0xaf: {  	[dreg:$0x3] =	wrdreg $0x48800  }
0xb0: {  	[dreg:$0x4] =	wrdreg $0x9  }
0xb1: {  	_ =	task.clear_ibuf [dreg:s6], $0x5FFFF;
	_ =	strace $0x90000046  }
0xb2: {  	s29 =	simm.s32 $0x9;
	_ =	strace $0x80000048  }
0xb3: {  	_ =	swait.ge [sflag:s29], $0x1  }
0xb4: {  	[sflag:s29] =	ssyncadd.s32 $0xFFFFFFFF  }
0xb5: {  	_ =	strace $0x90000048  }
0xb6: {  	_ =	sfence  }
0xb7: {  	s30 =	sld [smem:$0x0];
	_ =	sdelay $0x2  }
0xb8: {  	s31 =	sshll.u32 s1, $0xD;
	s1 =	sshrl.u32 s1, $0x2  }
0xb9: {  	s3 =	sand.u32 $0x4000, s31;
	s1 =	sadd.s32 s1, s30  }
0xba: {  	s0 =	sor.u32 s3, s0;
	s1 =	sshll.u32 s1, $0x11  }
0xbb: {  	s0 =	sor.u32 s1, s0  }
0xbc: {  	s0 =	sadd.s32 $0x8F2B, s0  }
0xbd: {  	[sflag:s0] =	ssyncadd.remote.s32 $0x1  }
0xbe: {  	_ =	sfence.sel $0xFFFF  }
0xbf: {  	[dreg:$0x0] =	wrdreg $0xFFFFFFFF;
	(pc) =	sbr.abs _section_cstart, $3  }
0xc0: {  	[dreg:$0x1] =	wrdreg $0xFFFFFFFF  }
0xc1: {  	_ =	task.clear_ibuf [dreg:s6], $0x2FFFF;
	_ =	strace $0x9FFFFFFF  }
0xc2: {  	(tm) =	ssettm $0x7FFFFFFF  }
0xc3: {  	_ =	shalt  }
tec
execute0_lowered:
.L_overlay_start_1:
0x0: {  	(tag) =	ssettag $0x1  }
0x1: {  	s3 =	rddreg [dreg:$0x0]  }
0x2: {  	s1 =	rddreg [dreg:$0x1]  }
0x3: {  	s0 =	rddreg [dreg:$0x2];
	s2 =	simm.s32 $0x0  }
0x4: {  	s9 =	stileid.u32;
	s4 =	srdreg.scid;
	s11 =	simm.s32 $0x0  }
0x5: {  	[smem:$0x7FF] =	sst s2;
	s5 =	sshll.u32 s9, $0xB;
	s4 =	sand.u32 $0x1, s4  }
0x6: {  	s7 =	smul.u32 $0x1F40, s9;
	p1 =	sgt.u32 s9, $0x4;
	p0 =	sne.s32 s9, $0x0  }
0x7: {  	s9 =	simm.s32 $0x4000;
	_ =	strace $0x80000047;
	s5 =	sadd.s32 s5, s3  }
0x8: {  	s6 =	sshll.u32 s4, $0x4;
	s29 =	ssub.s32 $0x2, s4;
	s4 =	sshll.u32 s4, $0xF  }
0x9: {  	s10 =	sshrl.u32 @!p0 s1, $0x3;
	s6 =	sadd.s32 s6, s3;
	s8 =	sshrl.u32 s29, $0x1  }
0xa: {  	s4 =	sadd.s32 s4, s5;
	s30 =	sshrl.u32 s7, $0x2;
	s7 =	simm.s32 $0x1  }
0xb: {  	s31 =	ssub.s32 s29, s8;
	s3 =	sadd.s32 $0x1800, s4;
	s4 =	sadd.s32 s30, s1  }
0xc: {  	v0 =	vimm.f32 $1.000000000e+00;
	v1 =	vimm.f32 $0.0e+00;
	s5 =	sadd.s32 $0x11800, s6;
	s8 =	simm.s32 $0x50;
	s6 =	smax.u32 s31, $0x1  }
.LBB2_1:
0xd: {  	[tilespmem:$0x4000] =	vst v0  }
0xe: {  	[tilespmem:$0x4010] =	vst v0  }
0xf: {  	[tilespmem:$0x4020] =	vst v0  }
0x10: {  	[tilespmem:$0x4030] =	vst v0  }
0x11: {  	[tilespmem:$0x4040] =	vst v0;
	s12 =	simm.s32 $0x40;
	s13 =	simm.s32 $0x0  }
.LBB2_2:
0x12: {  	p2 =	sne.s32 s12, $0x1F00;
	[tilespmem:s13+$0x4080] =	vst v1;
	s13 =	smov.u32 s12;
	s12 =	sadd.s32 $0x40, s12  }
.Ltmp0:
0x13: {  	(pc) =	sbr.rel @p2 .LBB2_2-.Ltmp0, $2  }
0x14: {  	_ =	sdelay $0x2  }
0x15: {  	s13 =	sshra.s32 s13, $0x2  }
0x16: {  	[tilespmem:s13+$0x4080] =	vst v1  }
0x17: {  	[tilespmem:s2], [sflag:$0x1] =	stream.linear.gather [hbm4b:s3+s2], $0x3E80, $0x38;
	[tilespmem:$0x4AF8] =	vst v63  }
0x18: {  	_ =	swait.ge [sflag:s7], $0x3E80  }
0x19: {  	[sflag:s7] =	ssyncset.done $0x0  }
0x1a: {  	s12 =	simm.s32 @!p1 $0x4080;
	[sflag:s7] =	ssyncadd.s32 $0xFFFFC180  }
0x1b: {  	[spmem:s4] =	stream.linear.scatter @!p1 [tilespmem:s12], [sflag:$0x1], $0x7D0, $0x38;
	[tilespmem:$0x4AF8] =	vst v63  }
0x1c: {  	s12 =	simm.s32 @!p1 $0x1  }
0x1d: {  	_ =	swait.ge @!p1 [sflag:s12], $0x7D0  }
0x1e: {  	[sflag:s12] =	ssyncset.done @!p1 $0x0  }
0x1f: {  	[sflag:s12] =	ssyncadd.s32 @!p1 $0xFFFFF830  }
0x20: {  	s31 =	simm.s32 $0x0;
	[bflag:$0x0] =	sbarrier.arrive $0xFFFF  }
0x21: {  	[spmem:s1] =	stream.indirect.scatter.add.f32 [tilespmem:s9], [sflag:$0x1], $0x1, s31, s8, $0xb8;
	[tilespmem:$0x4AF8] =	vst v63  }
0x22: {  	_ =	swait.ge [sflag:s7], $0x50  }
0x23: {  	s12 =	simm.s32 $0x200;
	[sflag:s7] =	ssyncset.done $0x0  }
.LBB2_4:
0x24: {  	s13 =	sshra.s32 s12, $0x2;
	[sflag:s7] =	ssyncadd.s32 $0xFFFFFFB0;
	p2 =	sne.s32 s12, $0xF800  }
0x25: {  	[spmem:s1] =	stream.indirect.scatter.add.f32 [tilespmem:s9], [sflag:$0x1], $0x1, s13, s8, $0xb8;
	[tilespmem:$0x4AF8] =	vst v63  }
.Ltmp1:
0x26: {  	_ = 	snop;
	(pc) =	sbr.rel @p2 .LBB2_4-.Ltmp1, $4  }
0x27: {  	_ = 	snop  }
0x28: {  	s12 =	sadd.s32 $0x200, s12  }
0x29: {  	_ =	swait.ge [sflag:s7], $0x50  }
0x2a: {  	[sflag:s7] =	ssyncset.done $0x0  }
0x2b: {  	[sflag:s7] =	ssyncadd.s32 $0xFFFFFFB0;
	s12 =	simm.s32 @!p0 $0x1;
	s11 =	sadd.s32 $0x1, s11  }
0x2c: {  	s13 =	simm.s32 @!p0 $0x20;
	s14 =	simm.s32 @!p0 $0x10;
	p2 =	sne.s32 s11, s6  }
.Ltmp2:
0x2d: {  	s15 =	simm.s32 @!p0 $0x1C01;
	[bflag:$0x0] =	sbarrier.arrive $0xFFFF;
	(pc) =	sbr.rel @p2 .LBB2_1-.Ltmp2, $4  }
0x2e: {  	[hbm:s5@s13], [sflag:s15] =	dma.strided @!p0 [spmem:s10@s14], $0x4F0, s12, $0x10   }
0x2f: {  	_ =	swait.ge @!p0 [sflag:s12], $0x4F0  }
0x30: {  	[sflag:s12] =	ssyncset.done @!p0 $0x0  }
0x31: {  	[sflag:s12] =	ssyncadd.s32 @!p0 $0xFFFFFB10  }
0x32: {  	_ =	sfence.sel $0x180000  }
0x33: {  	[bflag:$0x0] =	sbarrier.arrive $0xFFFF  }
0x34: {  	_ =	strace $0x90000047  }
0x35: {  	s0 =	sadd.s32 @!p0 $0x100000, s0;
	[bflag:$0x2] =	sbarrier.arrive $0xFFFF  }
0x36: {  	[sflag:s0] =	ssyncadd.tile.s32 @!p0 $0x1;
	_ =	shalt  }
.Lfunc_end2:
_tile_overlayer_lowered:
.L_overlay_start_2:
0x37: {  	(tag) =	ssettag $0x2  }
0x38: {  	s0 =	rddreg [dreg:$0x0];
	s2 =	stileid.u32  }
0x39: {  	s1 =	rddreg [dreg:$0x1];
	p0 =	sne.s32 s2, $0x0  }
0x3a: {  	s3 =	rddreg [dreg:$0x2];
	[bflag:$0x3] =	sbarrier.arrive $0xFFFF;
	s2 =	simm.s32 @!p0 $0x1C01  }
0x3b: {  	[timem:s3], [sflag:s2] =	dma.local @!p0 [hbm:s0], s1  }
0x3c: {  	s0 =	simm.s32 @!p0 $0x1  }
0x3d: {  	_ =	swait.ge @!p0 [sflag:s0], s1  }
0x3e: {  	s1 =	ssub.s32 @!p0 $0x0, s1;
	[sflag:s0] =	ssyncset.done @!p0 $0x0  }
0x3f: {  	[sflag:s0] =	ssyncadd.s32 @!p0 s1  }
0x40: {  	[bflag:$0x3] =	sbarrier.arrive $0xFFFF  }
0x41: {  	_ =	shalt  }

// kernel: kernel.9.cloned.1.call-start
scs
__scs_entry_jumppad:
0x0: {  	(pc) =	sbr.rel $0x88, $3  }
0x1: {  	(tag) =	ssettag $0x0;
	lr =	simm.s32 $0x1  }
0x2: {  	[smem:$0x3F9C] =	sst lr;
	_ =	strace $0xD0000000  }
0x3: {  	_ = 	snop  }
0x4: {  	_ = 	snop  }
0x5: {  	_ = 	snop  }
0x6: {  	_ = 	snop  }
0x7: {  	_ = 	snop  }
__scs_overlays_trampoline_lowered:
0x8: {  	[smem:$0x3FAB] =	sst s0  }
0x9: {  	[smem:$0x3FAC] =	sst s1  }
0xa: {  	[smem:$0x3FAD] =	sst s2  }
0xb: {  	[smem:$0x3FAE] =	sst s3  }
0xc: {  	[smem:$0x3FAF] =	sst s4  }
0xd: {  	[smem:$0x3FB0] =	sst s5  }
0xe: {  	[smem:$0x3FB1] =	sst s6  }
0xf: {  	[smem:$0x3FB2] =	sst s7  }
0x10: {  	[smem:$0x3FB3] =	sst s8  }
0x11: {  	[smem:$0x3FB4] =	sst s9;
	s0 =	simm.s32 @!p0 $0x0  }
0x12: {  	s1 =	sld [smem:$0x3F9A];
	s0 =	simm.s32 @p0 $0x1  }
0x13: {  	[smem:$0x3FB5] =	sst s0;
	s0 =	simm.s32 @!p1 $0x0  }
0x14: {  	s2 =	sld [smem:$0x3F99];
	s0 =	simm.s32 @p1 $0x1  }
0x15: {  	[smem:$0x3FB6] =	sst s0;
	s0 =	simm.s32 @!p2 $0x0  }
0x16: {  	s3 =	sld [smem:$0x3FDB];
	s0 =	simm.s32 @p2 $0x1  }
0x17: {  	s4 =	simm.s32 $0x1BF5;
	[smem:$0x3FB8] =	sst s0  }
0x18: {  	s0 =	sld [smem:$0x3F9B];
	_ =	swait.ge [sflag:s4], $0x0  }
0x19: {  	s7 =	sld [smem:$0x3F9C]  }
0x1a: {  	s8 =	sadd.s32 $0xFFFFE003, lr  }
0x1b: {  	s9 =	sadd.s32 $0xFFFFFEF7, lr;
	s5 =	simm.s32 $0xFFFFFFFF;
	p2 =	slt.u32 s8, $0xFFFFF086  }
0x1c: {  	p1 =	slt.u32 s9, $0xF7A;
	s5 =	simm.s32 @!p2 $0x0  }
0x1d: {  	s5 =	simm.s32 @p1 $0x1;
	p0 =	seq.s32 s7, s2  }
0x1e: {  	s7 =	smul.u32 @!p0 $0xF7A, s2;
	p2 =	seq.s32 @!p0 s5, $0x0  }
0x1f: {  	s9 =	smul.u32 $0xF7A, s1;
	s8 =	simm.s32 @!p0 $0x1BF5;
	p2 =	por !p2, p0  }
0x20: {  	[sflag:s8] =	ssyncset.s32 @!p0 $0xFFFFF086;
	s6 =	sadd.s32 @!p0 s3, s7;
	s7 =	simm.s32 @!p0 $0x108  }
0x21: {  	s3 =	sadd.s32 s3, s9;
	s6 =	sadd.s32 @!p0 $0x88, s6;
	s7 =	simm.s32 @p2 $0x1082  }
0x22: {  	[simem:s7], [sflag:s8] =	dma.local @!p0 [hbm:s6], $0xF7A  }
0x23: {  	s9 =	sor.u32 $0xD0000000, s2;
	s6 =	simm.s32 $0x108;
	_ =	swait.ge @!p0 [sflag:s8], $0x0  }
0x24: {  	s3 =	sadd.s32 $0x88, s3;
	s6 =	simm.s32 @!p1 $0x1082;
	[sflag:s4] =	ssyncset.s32 $0xFFFFF086  }
0x25: {  	[simem:s6], [sflag:s4] =	dma.local [hbm:s3], $0xF7A  }
0x26: {  	[smem:$0x3F9C] =	sst s1;
	(tag) =	ssettag s2;
	_ =	strace s9  }
0x27: {  	s1 =	sld [smem:$0x3FAC]  }
0x28: {  	s2 =	sld [smem:$0x3FAD]  }
0x29: {  	s4 =	sld [smem:$0x3FAF]  }
0x2a: {  	p0 =	seq.s32 s5, $0x0;
	s5 =	sld [smem:$0x3FB0]  }
0x2b: {  	s6 =	sld [smem:$0x3FB1]  }
0x2c: {  	s7 =	sld [smem:$0x3FB2]  }
0x2d: {  	s3 =	simm.s32 $0x108;
	s8 =	sld [smem:$0x3FB3]  }
0x2e: {  	s3 =	simm.s32 @!p0 $0x1082;
	s9 =	sld [smem:$0x3FB4]  }
0x2f: {  	lr =	sadd.s32 s0, s3;
	s0 =	sld [smem:$0x3FAB]  }
0x30: {  	s3 =	sld [smem:$0x3FAE]  }
0x31: {  	[smem:$0x3FB7] =	sst s10  }
0x32: {  	s10 =	sld [smem:$0x3FB5];
	_ =	sdelay $0x3  }
0x33: {  	p0 =	seq.s32 s10, $0x1;
	s10 =	sld [smem:$0x3FB7];
	_ =	sdelay $0x3  }
0x34: {  	[smem:$0x3FB7] =	sst s10  }
0x35: {  	s10 =	sld [smem:$0x3FB6];
	_ =	sdelay $0x3  }
0x36: {  	p1 =	seq.s32 s10, $0x1;
	s10 =	sld [smem:$0x3FB7];
	_ =	sdelay $0x3  }
0x37: {  	[smem:$0x3FB7] =	sst s10  }
0x38: {  	s10 =	sld [smem:$0x3FB8]  }
0x39: {  	_ = 	snop;
	(pc) =	sbr.ind lr, $3  }
0x3a: {  	_ = 	snop  }
0x3b: {  	_ = 	snop  }
0x3c: {  	p2 =	seq.s32 s10, $0x1;
	s10 =	sld [smem:$0x3FB7]  }
0x3d: {  	_ =	shalt  }
0x3e: {  	_ =	shalt  }
0x3f: {  	_ =	shalt  }
0x40: {  	_ =	shalt  }
0x41: {  	_ =	shalt  }
0x42: {  	_ =	shalt  }
0x43: {  	_ =	shalt  }
0x44: {  	_ =	shalt  }
0x45: {  	_ =	shalt  }
0x46: {  	_ =	shalt  }
0x47: {  	_ =	shalt  }
0x48: {  	_ =	shalt  }
0x49: {  	_ =	shalt  }
0x4a: {  	_ =	shalt  }
0x4b: {  	_ =	shalt  }
0x4c: {  	_ =	shalt  }
0x4d: {  	_ =	shalt  }
0x4e: {  	_ =	shalt  }
0x4f: {  	_ =	shalt  }
0x50: {  	_ =	shalt  }
0x51: {  	_ =	shalt  }
0x52: {  	_ =	shalt  }
0x53: {  	_ =	shalt  }
0x54: {  	_ =	shalt  }
0x55: {  	_ =	shalt  }
0x56: {  	_ =	shalt  }
0x57: {  	_ =	shalt  }
0x58: {  	_ =	shalt  }
0x59: {  	_ =	shalt  }
0x5a: {  	_ =	shalt  }
0x5b: {  	_ =	shalt  }
0x5c: {  	_ =	shalt  }
0x5d: {  	_ =	shalt  }
0x5e: {  	_ =	shalt  }
0x5f: {  	_ =	shalt  }
0x60: {  	_ =	shalt  }
0x61: {  	_ =	shalt  }
0x62: {  	_ =	shalt  }
0x63: {  	_ =	shalt  }
0x64: {  	_ =	shalt  }
0x65: {  	_ =	shalt  }
0x66: {  	_ =	shalt  }
0x67: {  	_ =	shalt  }
0x68: {  	_ =	shalt  }
0x69: {  	_ =	shalt  }
0x6a: {  	_ =	shalt  }
0x6b: {  	_ =	shalt  }
0x6c: {  	_ =	shalt  }
0x6d: {  	_ =	shalt  }
0x6e: {  	_ =	shalt  }
0x6f: {  	_ =	shalt  }
0x70: {  	_ =	shalt  }
0x71: {  	_ =	shalt  }
0x72: {  	_ =	shalt  }
0x73: {  	_ =	shalt  }
0x74: {  	_ =	shalt  }
0x75: {  	_ =	shalt  }
0x76: {  	_ =	shalt  }
0x77: {  	_ =	shalt  }
0x78: {  	_ =	shalt  }
0x79: {  	_ =	shalt  }
0x7a: {  	_ =	shalt  }
0x7b: {  	_ =	shalt  }
0x7c: {  	_ =	shalt  }
0x7d: {  	_ =	shalt  }
0x7e: {  	_ =	shalt  }
0x7f: {  	_ =	shalt  }
0x80: {  	_ =	shalt  }
0x81: {  	_ =	shalt  }
0x82: {  	_ =	shalt  }
0x83: {  	_ =	shalt  }
0x84: {  	_ =	shalt  }
0x85: {  	_ =	shalt  }
0x86: {  	_ =	shalt  }
0x87: {  	_ =	shalt  }
.Lfunc_end0:
.L_simem_size_0:
called_computation.1_lowered:
.L_overlay_start_0:
0x88: {  	s2 =	sld [smem:$0x3FD9]  }
0x89: {  	s3 =	sld [smem:$0x3FFE];
	_ =	sdelay $0x1  }
0x8a: {  	s1 =	srdreg.scid  }
0x8b: {  	s0 =	sand.u32 $0x1, s1  }
0x8c: {  	s17 =	sshll.u32 s0, $0xA;
	s2 =	sadd.s32 s3, s2  }
0x8d: {  	s2 =	sadd.s32 s2, s17  }
0x8e: {  	[smem:$0x3FC3] =	sst s2  }
0x8f: {  	_ = 	snop  }
0x90: {  	s2 =	sld [smem:$0x3FD0];
	(tm) =	ssettm $0x1  }
0x91: {  	s18 =	sld [smem:$0x3FFB];
	_ =	sdelay $0x3  }
0x92: {  	_ =	strace s18  }
0x93: {  	s3 =	sld [smem:$0x3FFC];
	_ =	sdelay $0x3  }
0x94: {  	_ =	strace s3  }
0x95: {  	s3 =	sld [smem:$0x3FFD];
	_ =	sdelay $0x3  }
0x96: {  	_ =	strace s3  }
0x97: {  	_ =	strace $0x8FFFFFFF  }
0x98: {  	s19 =	sld [smem:$0x3FDB];
	_ =	sdelay $0x1  }
0x99: {  	s4 =	simm.s32 $_scs_section_size  }
0x9a: {  	s5 =	simm.s32 $_size__tile_overlayer_lowered;
	s6 =	simm.s32 $_tile_overlayer_lowered  }
0x9b: {  	s22 =	simm.s32 $0x1BFF;
	s21 =	sshll.u32 s6, $0x1;
	s3 =	sadd.s32 s4, s19  }
0x9c: {  	s7 =	simm.s32 $0x0;
	s20 =	sshll.u32 s5, $0x1;
	s5 =	sadd.s32 s21, s3  }
0x9d: {  	[timem:s7], [sflag:s22] =	dma.local [hbm:s5], s20  }
0x9e: {  	_ =	swait.ge [sflag:s22], s20  }
0x9f: {  	s4 =	ssub.s32 $0x0, s20;
	[sflag:s22] =	ssyncset.done $0x0  }
0xa0: {  	[sflag:s22] =	ssyncadd.s32 s4;
	_ =	sdelay $0x1  }
0xa1: {  	s23 =	simm.s32 $0x1B8B  }
0xa2: {  	_ =	swait.ge [sflag:s23], $0x1  }
0xa3: {  	[sflag:s23] =	ssyncset.done $0x0  }
0xa4: {  	s25 =	simm.s32 $0x1B8E;
	s24 =	sld [smem:$0x3FFE];
	[sflag:s23] =	ssyncadd.s32 $0xFFFFFFFF  }
0xa5: {  	s26 =	simm.s32 $execute0_lowered;
	[smem:$0x3FD2] =	sst s25  }
0xa6: {  	s5 =	sshll.u32 s26, $0x1;
	_ =	strace $0x80000049;
	[dreg:$0x1] =	wrdreg $0xFFFFFFFF  }
0xa7: {  	s28 =	simm.s32 $_size_execute0_lowered;
	s3 =	sadd.s32 s3, s5;
	[dreg:$0x0] =	wrdreg $0x0  }
0xa8: {  	s5 =	sshll.u32 s28, $0x1;
	[dreg:$0x2] =	wrdreg s3  }
0xa9: {  	[dreg:$0x3] =	wrdreg s5  }
0xaa: {  	[dreg:$0x4] =	wrdreg $0xC0  }
0xab: {  	_ =	task [dreg:s7], $0x5FFFF  }
0xac: {  	[dreg:$0x1] =	wrdreg $0xFFFFFFFF  }
0xad: {  	[dreg:$0x0] =	wrdreg $0x60  }
0xae: {  	[dreg:$0x2] =	wrdreg s24  }
0xaf: {  	[dreg:$0x3] =	wrdreg s2  }
0xb0: {  	[dreg:$0x4] =	wrdreg $0x50800  }
0xb1: {  	[dreg:$0x5] =	wrdreg $0x189000  }
0xb2: {  	[dreg:$0x6] =	wrdreg $0x9  }
0xb3: {  	_ =	task.clear_ibuf [dreg:s7], $0x7FFFF;
	_ =	strace $0x90000049  }
0xb4: {  	s29 =	simm.s32 $0x9;
	_ =	strace $0x8000004B  }
0xb5: {  	_ =	swait.ge [sflag:s29], $0x1  }
0xb6: {  	[sflag:s29] =	ssyncadd.s32 $0xFFFFFFFF  }
0xb7: {  	_ =	strace $0x9000004B  }
0xb8: {  	_ =	sfence  }
0xb9: {  	s30 =	sld [smem:$0x0];
	_ =	sdelay $0x2  }
0xba: {  	s31 =	sshll.u32 s1, $0xD;
	s1 =	sshrl.u32 s1, $0x2  }
0xbb: {  	s3 =	sand.u32 $0x4000, s31;
	s1 =	sadd.s32 s1, s30  }
0xbc: {  	s0 =	sor.u32 s3, s0;
	s1 =	sshll.u32 s1, $0x11  }
0xbd: {  	s0 =	sor.u32 s1, s0  }
0xbe: {  	s0 =	sadd.s32 $0x8F2B, s0  }
0xbf: {  	[sflag:s0] =	ssyncadd.remote.s32 $0x1  }
0xc0: {  	_ =	sfence.sel $0xFFFF  }
0xc1: {  	[dreg:$0x0] =	wrdreg $0xFFFFFFFF;
	(pc) =	sbr.abs _section_cstart, $3  }
0xc2: {  	[dreg:$0x1] =	wrdreg $0xFFFFFFFF  }
0xc3: {  	_ =	task.clear_ibuf [dreg:s7], $0x2FFFF;
	_ =	strace $0x9FFFFFFF  }
0xc4: {  	(tm) =	ssettm $0x7FFFFFFF  }
0xc5: {  	_ =	shalt  }
tec
execute0_lowered:
.L_overlay_start_1:
0x0: {  	(tag) =	ssettag $0x1  }
0x1: {  	s1 =	rddreg [dreg:$0x0]  }
0x2: {  	s0 =	rddreg [dreg:$0x1]  }
0x3: {  	s3 =	rddreg [dreg:$0x2];
	s2 =	srdreg.scid  }
0x4: {  	s4 =	rddreg [dreg:$0x3];
	s12 =	stileid.u32;
	s5 =	simm.s32 $0x0  }
0x5: {  	s28 =	simm.s32 $0x1000;
	s29 =	simm.s32 $0x50;
	s30 =	simm.s32 $0x2000  }
0x6: {  	s2 =	sand.u32 $0x1, s2;
	s8 =	smul.u32 $0x1F400, s12;
	[smem:$0x7FF] =	sst s5  }
0x7: {  	s6 =	sadd.s32 $0x26200, s1;
	s9 =	smul.u32 $0x7D000, s12;
	p0 =	sgt.u32 s12, $0x9  }
0x8: {  	s31 =	simm.s32 $0x1;
	s7 =	smul.u32 $0x138800, s2;
	_ =	strace $0x8000004A  }
0x9: {  	s26 =	sshll.u32 s2, $0x4;
	s2 =	ssub.s32 $0x2, s2;
	p1 =	sgt.u32 @!p0 s12, $0x4  }
0xa: {  	p2 =	sne.s32 @p0 s12, $0xA;
	s11 =	sshrl.u32 s2, $0x1;
	s9 =	sshrl.u32 s9, $0x2  }
0xb: {  	s13 =	sor.u32 s12, s26;
	p1 =	por p1, p0;
	s8 =	sadd.s32 s8, s7  }
0xc: {  	p2 =	por p2, !p0;
	s7 =	sadd.s32 $0x12200, s1;
	s8 =	sshrl.u32 s8, $0x3  }
0xd: {  	s2 =	ssub.s32 s2, s11;
	s10 =	sadd.s32 s8, s1;
	s8 =	sadd.s32 s9, s3  }
0xe: {  	s1 =	sadd.s32 s26, s1;
	s26 =	smul.u32 $0x1F40, s12;
	s9 =	sadd.s32 $0x2800, s8  }
0xf: {  	s22 =	sadd.s32 $0x5000, s8;
	s23 =	sadd.s32 $0x7800, s8;
	s24 =	sadd.s32 $0xA000, s8  }
0x10: {  	s25 =	sadd.s32 $0xC800, s8;
	s14 =	sadd.s32 $0xF000, s8;
	[dreg:$0x5] =	wrdreg s9  }
0x11: {  	s15 =	sadd.s32 $0x11800, s8;
	s16 =	sadd.s32 $0x14000, s8;
	[dreg:$0x6] =	wrdreg s22  }
0x12: {  	s17 =	sadd.s32 $0x16800, s8;
	s18 =	sadd.s32 $0x19000, s8;
	[dreg:$0x7] =	wrdreg s23  }
0x13: {  	s19 =	sadd.s32 $0x1B800, s8;
	s20 =	sadd.s32 $0x1E000, s8;
	[dreg:$0x8] =	wrdreg s24  }
0x14: {  	[dreg:$0x9] =	wrdreg s25;
	s9 =	sshrl.u32 s26, $0x2;
	s22 =	smul.u32 $0x5000, s13  }
0x15: {  	s23 =	sadd.s32 $0x1800, s1;
	s24 =	sadd.s32 $0x15EA00, s10;
	s25 =	smax.u32 s2, $0x1  }
0x16: {  	v0 =	vimm.f32 $1.000000000e+00;
	v1 =	vimm.f32 $0.0e+00;
	s26 =	simm.s32 $0x2;
	s1 =	simm.s32 $0x4800;
	s21 =	sadd.s32 s9, s4  }
.LBB2_1:
0x17: {  	[tilespmem:$0x4800] =	vst v0  }
0x18: {  	[tilespmem:$0x4810] =	vst v0  }
0x19: {  	[tilespmem:$0x4820] =	vst v0  }
0x1a: {  	[tilespmem:$0x4830] =	vst v0  }
0x1b: {  	[tilespmem:$0x4840] =	vst v0;
	s2 =	simm.s32 $0x0  }
.LBB2_2:
0x1c: {  	p3 =	sne.s32 s2, $0x1F00  }
.Ltmp0:
0x1d: {  	_ = 	snop;
	(pc) =	sbr.rel @p3 .LBB2_2-.Ltmp0, $3  }
0x1e: {  	_ =	sdelay $0x1  }
0x1f: {  	s9 =	sshra.s32 s2, $0x2  }
0x20: {  	s2 =	sadd.s32 $0x40, s2;
	[tilespmem:s9+$0x4880] =	vst v1  }
0x21: {  	s2 =	simm.s32 $0x0  }
0x22: {  	s9 =	sand.u32 $0xFE00, s2  }
0x23: {  	s10 =	sand.u32 $0x70, s2;
	s11 =	sshrl.u32 s9, $0x2  }
0x24: {  	s9 =	simm.s32 $0x40;
	s10 =	sor.u32 s10, s11  }
.LBB2_4:
0x25: {  	p3 =	sne.s32 s9, $0x9FC0  }
0x26: {  	[tilespmem:s10+$0x2000] =	vst v1;
	s2 =	sadd.s32 $0x10, s2;
	s10 =	smov.u32 s9;
	s9 =	sadd.s32 $0x40, s9  }
.Ltmp1:
0x27: {  	(pc) =	sbr.rel @p3 .LBB2_4-.Ltmp1, $4  }
0x28: {  	_ = 	snop  }
0x29: {  	s10 =	sand.u32 $0xFE00, s10  }
0x2a: {  	s11 =	sand.u32 $0x70, s2;
	s10 =	sshrl.u32 s10, $0x2  }
0x2b: {  	s10 =	sor.u32 s11, s10  }
0x2c: {  	[tilespmem:s10+$0x2000] =	vst v1;
	s2 =	simm.s32 @!p0 $0x2000;
	s9 =	simm.s32 @!p0 $0x2  }
0x2d: {  	[spmem:s8] =	stream.linear.scatter @!p0 [tilespmem:s2], [sflag:$0x2], $0x2800, $0x38;
	[tilespmem:$0x18B78] =	vst v63  }
0x2e: {  	_ =	swait.ge @!p0 [sflag:s9], $0x2800  }
0x2f: {  	[sflag:s9] =	ssyncset.done @!p0 $0x0  }
0x30: {  	s10 =	rddreg [dreg:$0x5];
	[sflag:s9] =	ssyncadd.s32 @!p0 $0xFFFFD800  }
0x31: {  	[spmem:s10] =	stream.linear.scatter @!p0 [tilespmem:s2], [sflag:$0x2], $0x2800, $0x38;
	[tilespmem:$0x18B78] =	vst v63  }
0x32: {  	_ =	swait.ge @!p0 [sflag:s9], $0x2800  }
0x33: {  	[sflag:s9] =	ssyncset.done @!p0 $0x0  }
0x34: {  	s10 =	rddreg [dreg:$0x6];
	[sflag:s9] =	ssyncadd.s32 @!p0 $0xFFFFD800  }
0x35: {  	[spmem:s10] =	stream.linear.scatter @!p0 [tilespmem:s2], [sflag:$0x2], $0x2800, $0x38;
	[tilespmem:$0x18B78] =	vst v63  }
0x36: {  	_ =	swait.ge @!p0 [sflag:s9], $0x2800  }
0x37: {  	[sflag:s9] =	ssyncset.done @!p0 $0x0  }
0x38: {  	s10 =	rddreg [dreg:$0x7];
	[sflag:s9] =	ssyncadd.s32 @!p0 $0xFFFFD800  }
0x39: {  	[spmem:s10] =	stream.linear.scatter @!p0 [tilespmem:s2], [sflag:$0x2], $0x2800, $0x38;
	[tilespmem:$0x18B78] =	vst v63  }
0x3a: {  	_ =	swait.ge @!p0 [sflag:s9], $0x2800  }
0x3b: {  	[sflag:s9] =	ssyncset.done @!p0 $0x0  }
0x3c: {  	s10 =	rddreg [dreg:$0x8];
	[sflag:s9] =	ssyncadd.s32 @!p0 $0xFFFFD800  }
0x3d: {  	[spmem:s10] =	stream.linear.scatter @!p0 [tilespmem:s2], [sflag:$0x2], $0x2800, $0x38;
	[tilespmem:$0x18B78] =	vst v63  }
0x3e: {  	_ =	swait.ge @!p0 [sflag:s9], $0x2800  }
0x3f: {  	[sflag:s9] =	ssyncset.done @!p0 $0x0  }
0x40: {  	s10 =	rddreg [dreg:$0x9];
	[sflag:s9] =	ssyncadd.s32 @!p0 $0xFFFFD800  }
0x41: {  	[spmem:s10] =	stream.linear.scatter @!p0 [tilespmem:s2], [sflag:$0x2], $0x2800, $0x38;
	[tilespmem:$0x18B78] =	vst v63  }
0x42: {  	_ =	swait.ge @!p0 [sflag:s9], $0x2800  }
0x43: {  	[sflag:s9] =	ssyncset.done @!p0 $0x0  }
0x44: {  	[sflag:s9] =	ssyncadd.s32 @!p0 $0xFFFFD800  }
0x45: {  	[spmem:s14] =	stream.linear.scatter @!p0 [tilespmem:s2], [sflag:$0x2], $0x2800, $0x38;
	[tilespmem:$0x18B78] =	vst v63  }
0x46: {  	_ =	swait.ge @!p0 [sflag:s9], $0x2800  }
0x47: {  	[sflag:s9] =	ssyncset.done @!p0 $0x0  }
0x48: {  	[sflag:s9] =	ssyncadd.s32 @!p0 $0xFFFFD800  }
0x49: {  	[spmem:s15] =	stream.linear.scatter @!p0 [tilespmem:s2], [sflag:$0x2], $0x2800, $0x38;
	[tilespmem:$0x18B78] =	vst v63  }
0x4a: {  	_ =	swait.ge @!p0 [sflag:s9], $0x2800  }
0x4b: {  	[sflag:s9] =	ssyncset.done @!p0 $0x0  }
0x4c: {  	[sflag:s9] =	ssyncadd.s32 @!p0 $0xFFFFD800  }
0x4d: {  	[spmem:s16] =	stream.linear.scatter @!p0 [tilespmem:s2], [sflag:$0x2], $0x2800, $0x38;
	[tilespmem:$0x18B78] =	vst v63  }
0x4e: {  	_ =	swait.ge @!p0 [sflag:s9], $0x2800  }
0x4f: {  	[sflag:s9] =	ssyncset.done @!p0 $0x0  }
0x50: {  	[sflag:s9] =	ssyncadd.s32 @!p0 $0xFFFFD800  }
0x51: {  	[spmem:s17] =	stream.linear.scatter @!p0 [tilespmem:s2], [sflag:$0x2], $0x2800, $0x38;
	[tilespmem:$0x18B78] =	vst v63  }
0x52: {  	_ =	swait.ge @!p0 [sflag:s9], $0x2800  }
0x53: {  	[sflag:s9] =	ssyncset.done @!p0 $0x0  }
0x54: {  	[sflag:s9] =	ssyncadd.s32 @!p0 $0xFFFFD800  }
0x55: {  	[spmem:s18] =	stream.linear.scatter @!p0 [tilespmem:s2], [sflag:$0x2], $0x2800, $0x38;
	[tilespmem:$0x18B78] =	vst v63  }
0x56: {  	_ =	swait.ge @!p0 [sflag:s9], $0x2800  }
0x57: {  	[sflag:s9] =	ssyncset.done @!p0 $0x0  }
0x58: {  	[sflag:s9] =	ssyncadd.s32 @!p0 $0xFFFFD800  }
0x59: {  	[spmem:s19] =	stream.linear.scatter @!p0 [tilespmem:s2], [sflag:$0x2], $0x2800, $0x38;
	[tilespmem:$0x18B78] =	vst v63  }
0x5a: {  	_ =	swait.ge @!p0 [sflag:s9], $0x2800  }
0x5b: {  	[sflag:s9] =	ssyncset.done @!p0 $0x0  }
0x5c: {  	[sflag:s9] =	ssyncadd.s32 @!p0 $0xFFFFD800  }
0x5d: {  	[spmem:s20] =	stream.linear.scatter @!p0 [tilespmem:s2], [sflag:$0x2], $0x1400, $0x38;
	[tilespmem:$0x18B78] =	vst v63  }
0x5e: {  	_ =	swait.ge @!p0 [sflag:s9], $0x1400  }
0x5f: {  	[sflag:s9] =	ssyncset.done @!p0 $0x0  }
0x60: {  	s2 =	simm.s32 @!p1 $0x4880;
	[sflag:s9] =	ssyncadd.s32 @!p0 $0xFFFFEC00  }
0x61: {  	[spmem:s21] =	stream.linear.scatter @!p1 [tilespmem:s2], [sflag:$0x2], $0x7D0, $0x38;
	[tilespmem:$0x18B78] =	vst v63  }
0x62: {  	s2 =	simm.s32 @!p1 $0x2  }
0x63: {  	_ =	swait.ge @!p1 [sflag:s2], $0x7D0  }
0x64: {  	[sflag:s2] =	ssyncset.done @!p1 $0x0  }
0x65: {  	[sflag:s2] =	ssyncadd.s32 @!p1 $0xFFFFF830  }
0x66: {  	s9 =	simm.s32 $0x0;
	s2 =	simm.s32 $0x0;
	[bflag:$0x0] =	sbarrier.arrive $0xFFFF  }
.LBB2_6:
0x67: {  	s10 =	sshll.u32 s9, $0xC  }
0x68: {  	s10 =	sadd.s32 s22, s10  }
0x69: {  	s10 =	sshrl.u32 s10, $0x3  }
0x6a: {  	s11 =	sadd.s32 s0, s10  }
0x6b: {  	[tilespmem:s2], [sflag:$0x2] =	stream.linear.gather [hbm4b:s11+s2], $0xC80, $0x38;
	[tilespmem:$0x18B78] =	vst v63  }
0x6c: {  	_ =	swait.ge [sflag:s26], $0xC80  }
0x6d: {  	[sflag:s26] =	ssyncset.done $0x0  }
0x6e: {  	s10 =	sadd.s32 s7, s10;
	[sflag:s26] =	ssyncadd.s32 $0xFFFFF380  }
0x6f: {  	[tilespmem:s28], [sflag:$0x2] =	stream.linear.gather [hbm4b:s10+s2], $0xC80, $0x38;
	[tilespmem:$0x18B78] =	vst v63  }
0x70: {  	_ =	swait.ge [sflag:s26], $0xC80  }
0x71: {  	[sflag:s26] =	ssyncset.done $0x0  }
0x72: {  	s12 =	simm.s32 $0x0;
	[sflag:s26] =	ssyncadd.s32 $0xFFFFF380  }
0x73: {  	[tilespmem:s30], [sflag:$0x1] =	stream.indirect.gather [hbm4b:s6+s29], $0x80, s12, s29, $0xb8;
	[tilespmem:$0x18B78] =	vst v63  }
0x74: {  	_ =	swait.ge [sflag:s31], $0x2800  }
0x75: {  	[sflag:s31] =	ssyncset.done $0x0  }
0x76: {  	s13 =	simm.s32 $0x1000;
	[sflag:s31] =	ssyncadd.s32 $0xFFFFD800  }
0x77: {  	[spmem:s3] =	stream.indirect.scatter.add.f32 [tilespmem:s30], [sflag:$0x2], $0x80, s13, s29, $0xb8;
	[tilespmem:$0x18B78] =	vst v63  }
0x78: {  	_ =	swait.ge [sflag:s26], $0x2800  }
0x79: {  	[sflag:s26] =	ssyncset.done $0x0  }
0x7a: {  	[sflag:s26] =	ssyncadd.s32 $0xFFFFD800  }
0x7b: {  	[spmem:s4] =	stream.indirect.scatter.add.f32 [tilespmem:s1], [sflag:$0x2], $0x1, s13, s29, $0xb8;
	[tilespmem:$0x18B78] =	vst v63  }
0x7c: {  	_ =	swait.ge [sflag:s26], $0x50  }
0x7d: {  	s11 =	simm.s32 $0x400;
	s10 =	simm.s32 $0x200;
	[sflag:s26] =	ssyncset.done $0x0  }
.LBB2_7:
0x7e: {  	s12 =	sshra.s32 s10, $0x2  }
0x7f: {  	[sflag:s26] =	ssyncadd.s32 $0xFFFFFFB0;
	s10 =	smov.u32 s11;
	s13 =	sadd.s32 $0x200, s11  }
0x80: {  	[tilespmem:s30], [sflag:$0x1] =	stream.indirect.gather [hbm4b:s6+s29], $0x80, s12, s29, $0xb8;
	[tilespmem:$0x18B78] =	vst v63  }
0x81: {  	p3 =	sne.s32 s11, $0x3000;
	_ =	swait.ge [sflag:s31], $0x2800  }
0x82: {  	[sflag:s31] =	ssyncset.done $0x0  }
0x83: {  	s11 =	sadd.s32 $0x1000, s12;
	[sflag:s31] =	ssyncadd.s32 $0xFFFFD800  }
0x84: {  	[spmem:s3] =	stream.indirect.scatter.add.f32 [tilespmem:s30], [sflag:$0x2], $0x80, s11, s29, $0xb8;
	[tilespmem:$0x18B78] =	vst v63  }
0x85: {  	_ =	swait.ge [sflag:s26], $0x2800  }
.Ltmp2:
0x86: {  	[sflag:s26] =	ssyncset.done $0x0;
	(pc) =	sbr.rel @p3 .LBB2_7-.Ltmp2, $4  }
0x87: {  	[sflag:s26] =	ssyncadd.s32 $0xFFFFD800  }
0x88: {  	[spmem:s4] =	stream.indirect.scatter.add.f32 [tilespmem:s1], [sflag:$0x2], $0x1, s11, s29, $0xb8;
	[tilespmem:$0x18B78] =	vst v63  }
0x89: {  	_ =	swait.ge [sflag:s26], $0x50  }
0x8a: {  	s11 =	smov.u32 s13;
	[sflag:s26] =	ssyncset.done $0x0  }
0x8b: {  	s10 =	sshra.s32 s10, $0x2;
	[sflag:s26] =	ssyncadd.s32 $0xFFFFFFB0  }
0x8c: {  	[tilespmem:s30], [sflag:$0x1] =	stream.indirect.gather [hbm4b:s6+s29], $0x80, s10, s29, $0xb8;
	[tilespmem:$0x18B78] =	vst v63  }
0x8d: {  	_ =	swait.ge [sflag:s31], $0x2800  }
0x8e: {  	[sflag:s31] =	ssyncset.done $0x0  }
0x8f: {  	s10 =	sadd.s32 $0x1000, s10;
	[sflag:s31] =	ssyncadd.s32 $0xFFFFD800  }
0x90: {  	[spmem:s3] =	stream.indirect.scatter.add.f32 [tilespmem:s30], [sflag:$0x2], $0x80, s10, s29, $0xb8;
	[tilespmem:$0x18B78] =	vst v63  }
0x91: {  	s9 =	sadd.s32 $0x1, s9;
	_ =	swait.ge [sflag:s26], $0x2800  }
0x92: {  	p3 =	sne.s32 s9, $0x5;
	[sflag:s26] =	ssyncset.done $0x0  }
.Ltmp3:
0x93: {  	[sflag:s26] =	ssyncadd.s32 $0xFFFFD800;
	(pc) =	sbr.rel @p3 .LBB2_6-.Ltmp3, $4  }
0x94: {  	[spmem:s4] =	stream.indirect.scatter.add.f32 [tilespmem:s1], [sflag:$0x2], $0x1, s10, s29, $0xb8;
	[tilespmem:$0x18B78] =	vst v63  }
0x95: {  	_ =	swait.ge [sflag:s26], $0x50  }
0x96: {  	[sflag:s26] =	ssyncset.done $0x0  }
0x97: {  	[sflag:s26] =	ssyncadd.s32 $0xFFFFFFB0  }
0x98: {  	[bflag:$0x0] =	sbarrier.arrive $0xFFFF;
	s2 =	sshrl.u32 @!p2 s4, $0x3;
	s9 =	simm.s32 @!p2 $0x1  }
0x99: {  	s10 =	simm.s32 @!p2 $0x20;
	s11 =	simm.s32 @!p2 $0x10;
	s12 =	simm.s32 @!p2 $0x1E82  }
0x9a: {  	[hbm:s23@s10], [sflag:s12] =	dma.strided @!p2 [spmem:s2@s11], $0x4F0, s9, $0x10   }
0x9b: {  	s2 =	simm.s32 @!p2 $0x2  }
0x9c: {  	s5 =	sadd.s32 $0x1, s5;
	s9 =	stileid.u32;
	_ =	swait.ge @!p2 [sflag:s2], $0x4F0  }
0x9d: {  	p3 =	sne.s32 s5, s25;
	s9 =	sshll.u32 @!p0 s9, $0x6;
	[sflag:s2] =	ssyncset.done @!p2 $0x0  }
0x9e: {  	[sflag:s2] =	ssyncadd.s32 @!p2 $0xFFFFFB10;
	s2 =	sor.u32 @!p0 $0x1C02, s9;
	s9 =	sshrl.u32 @!p0 s8, $0x3  }
0x9f: {  	[hbm:s24], [sflag:s2] =	dma.local @!p0 [spmem:s9], $0x3E80  }
.Ltmp4:
0xa0: {  	_ = 	snop;
	(pc) =	sbr.rel @p3 .LBB2_1-.Ltmp4, $4  }
0xa1: {  	s2 =	simm.s32 @!p0 $0x2  }
0xa2: {  	_ =	swait.ge @!p0 [sflag:s2], $0x3E80  }
0xa3: {  	[sflag:s2] =	ssyncset.done @!p0 $0x0  }
0xa4: {  	[sflag:s2] =	ssyncadd.s32 @!p0 $0xFFFFC180  }
0xa5: {  	_ =	sfence.sel $0x180000  }
0xa6: {  	[bflag:$0x0] =	sbarrier.arrive $0xFFFF  }
0xa7: {  	_ =	strace $0x9000004A  }
0xa8: {  	s0 =	stileid.u32;
	[bflag:$0x2] =	sbarrier.arrive $0xFFFF  }
0xa9: {  	p0 =	sne.s32 s0, $0x0;
	s0 =	rddreg [dreg:$0x4]  }
0xaa: {  	s0 =	sadd.s32 @!p0 $0x100000, s0  }
0xab: {  	[sflag:s0] =	ssyncadd.tile.s32 @!p0 $0x1;
	_ =	shalt  }
.Lfunc_end2:
_tile_overlayer_lowered:
.L_overlay_start_2:
0xac: {  	(tag) =	ssettag $0x2  }
0xad: {  	s0 =	rddreg [dreg:$0x0];
	s2 =	stileid.u32  }
0xae: {  	s1 =	rddreg [dreg:$0x1];
	p0 =	sne.s32 s2, $0x0  }
0xaf: {  	s3 =	rddreg [dreg:$0x2];
	[bflag:$0x3] =	sbarrier.arrive $0xFFFF;
	s2 =	simm.s32 @!p0 $0x1C02  }
0xb0: {  	[timem:s3], [sflag:s2] =	dma.local @!p0 [hbm:s0], s1  }
0xb1: {  	s0 =	simm.s32 @!p0 $0x2  }
0xb2: {  	_ =	swait.ge @!p0 [sflag:s0], s1  }
0xb3: {  	s1 =	ssub.s32 @!p0 $0x0, s1;
	[sflag:s0] =	ssyncset.done @!p0 $0x0  }
0xb4: {  	[sflag:s0] =	ssyncadd.s32 @!p0 s1  }
0xb5: {  	[bflag:$0x3] =	sbarrier.arrive $0xFFFF  }
0xb6: {  	_ =	shalt  }

</sc_bundles>
